<compile_context>
chip_gen: v7x
topology: tpu7x:2x2x1
jax: 0.10.2.dev20260603
libtpu: 0.0.44.dev20260713+nightly
codegen_flags: <defaults>
</compile_context>

<pallas_src>
import functools

import jax
import jax.numpy as jnp
from jax import lax
from jax.experimental import pallas as pl
from jax.experimental.pallas import tpu as pltpu
from jax.experimental.pallas import tpu_sc as plsc

B = 16384
F = 26
D = 128
NW = 32
FR_W = B // NW
PER_W = FR_W * F
FR_CH = 4
CHF = FR_CH * F
NCH = FR_W // FR_CH
NBUF = 6
PF = 3
STARTS = (0, 16, 32, 48, 64, 80, 88)


def _sc_lookup(feats_hbm, offs_hbm, table_hbm, out_hbm,
               feats_v, idx_v, offs_v, pat_v, rows_v, gsem, ssem):
    wid = lax.axis_index("s") * 2 + lax.axis_index("c")
    b0 = wid * FR_W

    pltpu.sync_copy(feats_hbm.at[wid], feats_v)
    pltpu.sync_copy(offs_hbm, offs_v)

    lane = lax.iota(jnp.int32, 16)

    for s in STARTS:
        pat_v[pl.ds(s, 16)] = plsc.load_gather(offs_v, [lax.rem(s + lane, F)])

    def compute_row(j):
        for s in STARTS:
            sl = pl.ds(s, 16)
            feat = plsc.load_gather(feats_v, [j * CHF + s + lane])
            idx_v[j, sl] = feat + pat_v[sl]

    def start_gather(j, slot):
        return pltpu.async_copy(
            table_hbm.at[idx_v.at[j]], rows_v.at[slot], gsem.at[slot])

    def scatter_pairs(j, slot):
        return [(rows_v.at[slot, pl.ds(k * F, F)],
                 out_hbm.at[(b0 + j * FR_CH) + k], ssem.at[slot])
                for k in range(FR_CH)]

    for jj in range(PF):
        compute_row(jj)
        start_gather(jj, jj)
    compute_row(PF)
    compute_row(PF + 1)

    def dma_body(j, _):
        slot = lax.rem(j, NBUF)
        pfs = lax.rem(j + PF, NBUF)

        pltpu.make_async_copy(
            table_hbm.at[idx_v.at[j]], rows_v.at[slot], gsem.at[slot]).wait()
        for p in scatter_pairs(j, slot):
            pltpu.async_copy(*p)

        @pl.when(j + PF < NCH)
        def _():
            @pl.when(j + PF >= NBUF)
            def _():
                for p in scatter_pairs(j + PF - NBUF, pfs):
                    pltpu.make_async_copy(*p).wait()
            start_gather(j + PF, pfs)

        @pl.when(j + PF + 2 < NCH)
        def _():
            compute_row(j + PF + 2)
        return 0

    lax.fori_loop(0, NCH, dma_body, 0)

    for jj in range(NCH - NBUF + PF, NCH):
        for p in scatter_pairs(jj, jj % NBUF):
            pltpu.make_async_copy(*p).wait()


@jax.jit
def _run(feats_flat, offs_pad, table):
    mesh = plsc.VectorSubcoreMesh(core_axis_name="c", subcore_axis_name="s")
    gather_f = functools.partial(
        pl.kernel,
        out_type=jax.ShapeDtypeStruct((B, F, D), jnp.float32),
        mesh=mesh,
        scratch_types=[
            pltpu.VMEM((PER_W,), jnp.int32),
            pltpu.VMEM((NCH, CHF), jnp.int32),
            pltpu.VMEM((128,), jnp.int32),
            pltpu.VMEM((CHF,), jnp.int32),
            pltpu.VMEM((NBUF, CHF, D), jnp.float32),
            pltpu.SemaphoreType.DMA((NBUF,)),
            pltpu.SemaphoreType.DMA((NBUF,)),
        ],
        compiler_params=pltpu.CompilerParams(
            needs_layout_passes=False, use_tc_tiling_on_sc=True),
    )(_sc_lookup)
    return gather_f(feats_flat, offs_pad, table)


def kernel(features, table, feature_offsets):
    feats_flat = features.reshape(NW, PER_W)
    offs_pad = jnp.pad(feature_offsets, (0, 128 - F))
    return _run(feats_flat, offs_pad, table)

# --- scband reference (transcript-rebuilt; emitter-appended) ---
"""Pipeline reference for scband-numerical-feature-encoding-34986803593741 (READ-ONLY COPY).

The authoritative reference and input builder live on the scoring server;
editing this copy changes nothing except your own understanding.
"""

import jax, jax.numpy as jnp
import numpy as np

FEATURE_DIMS = [1000] * 26
EMBED_DIM = 128
BATCH = 16384


def setup_inputs(seed: int = 0) -> dict:
    key = jax.random.key(seed)
    k1, k2 = jax.random.split(key)
    features = jax.random.randint(k1, (BATCH, len(FEATURE_DIMS)), 0, min(FEATURE_DIMS), dtype=jnp.int32)
    table = jax.random.normal(k2, (sum(FEATURE_DIMS), EMBED_DIM), dtype=jnp.float32)
    feature_offsets = jnp.cumsum(jnp.asarray([0] + FEATURE_DIMS[:-1], dtype=jnp.int32))
    return {"features": features, "table": table, "feature_offsets": feature_offsets}


def reference(features, table, feature_offsets):
    # features: int[B, F]; feature_offsets: int[F]; table: float[sum(dims), D]
    idx = features + feature_offsets[None, :]
    y = jnp.take(table, idx, axis=0)  # [B, F, D]
    return y

if __name__ == "__main__":
    import jax
    _d = setup_inputs()
    print(jax.jit(kernel)(*tuple(_d.values())))

</pallas_src>

<mosaic_0001>
#map = affine_map<(d0, d1) -> (0, 0)>
#map1 = affine_map<(d0, d1) -> (0)>
#map2 = affine_map<(d0, d1) -> (0, 0, 0)>
module attributes {stable_mosaic.version = 14 : i64} {
  func.func @_sc_lookup(%arg0: i32, %arg1: i32, %arg2: memref<32x13312xi32, #tpu.memory_space<hbm>>, %arg3: memref<128xi32, #tpu.memory_space<hbm>>, %arg4: memref<26000x128xf32, #tpu.memory_space<hbm>>, %arg5: memref<16384x26x128xf32, #tpu.memory_space<hbm>>, %arg6: memref<13312xi32, #tpu.memory_space<vmem>>, %arg7: memref<128x104xi32, #tpu.memory_space<vmem>>, %arg8: memref<128xi32, #tpu.memory_space<vmem>>, %arg9: memref<104xi32, #tpu.memory_space<vmem>>, %arg10: memref<6x104x128xf32, #tpu.memory_space<vmem>>, %arg11: memref<6x!tpu.dma_semaphore, #tpu.memory_space<semaphore_mem>>, %arg12: memref<6x!tpu.dma_semaphore, #tpu.memory_space<semaphore_mem>>) attributes {dimension_semantics = [#tpu.dimension_semantics<core_parallel>, #tpu.dimension_semantics<subcore_parallel>], iteration_bounds = array<i64: 2, 16>, scalar_prefetch = 0 : i64, scratch_operands = 7 : i64, tpu.core_type = #tpu.core_type<sc_vector_subcore>, window_params = [{transform_indices = #map}, {transform_indices = #map1}, {transform_indices = #map}, {transform_indices = #map2}]} {
    %mul3A = arith.constant 2 : i32
    %mul3A_0 = arith.muli %arg1, %mul3A : i32
    %add3A = arith.addi %mul3A_0, %arg0 : i32
    %mul3A_1 = arith.constant 512 : i32
    %mul3A_2 = arith.muli %add3A, %mul3A_1 : i32
    "tpu.region"() ({
      %run_scoped3A = tpu.sem_alloc : memref<!tpu.dma_semaphore, #tpu.memory_space<semaphore_mem>>
      %dma_start3A_784 = arith.constant 0 : i32
      %dma_start3A_785 = tpu.memref_slice %arg2[%add3A, %dma_start3A_784] : memref<32x13312xi32, #tpu.memory_space<hbm>> -> memref<1x13312xi32, #tpu.memory_space<hbm>>
      %dma_start3A_786 = tpu.memref_squeeze %dma_start3A_785 : memref<1x13312xi32, #tpu.memory_space<hbm>> -> memref<13312xi32, #tpu.memory_space<hbm>>
      %dma_start3A_787 = arith.constant 0 : i32
      %dma_start3A_788 = tpu.memref_slice %arg2[%add3A, %dma_start3A_787] : memref<32x13312xi32, #tpu.memory_space<hbm>> -> memref<1x13312xi32, #tpu.memory_space<hbm>>
      %dma_start3A_789 = tpu.memref_squeeze %dma_start3A_788 : memref<1x13312xi32, #tpu.memory_space<hbm>> -> memref<13312xi32, #tpu.memory_space<hbm>>
      tpu.enqueue_dma source(%dma_start3A_789 : memref<13312xi32, #tpu.memory_space<hbm>>) target(%arg6 : memref<13312xi32, #tpu.memory_space<vmem>>) target_semaphore(%run_scoped3A : memref<!tpu.dma_semaphore, #tpu.memory_space<semaphore_mem>>)
      %dma_wait3A_790 = arith.constant 0 : i32
      %dma_wait3A_791 = tpu.memref_slice %arg2[%add3A, %dma_wait3A_790] : memref<32x13312xi32, #tpu.memory_space<hbm>> -> memref<1x13312xi32, #tpu.memory_space<hbm>>
      %dma_wait3A_792 = tpu.memref_squeeze %dma_wait3A_791 : memref<1x13312xi32, #tpu.memory_space<hbm>> -> memref<13312xi32, #tpu.memory_space<hbm>>
      %dma_wait3A_793 = arith.constant 0 : i32
      %dma_wait3A_794 = tpu.memref_slice %arg2[%add3A, %dma_wait3A_793] : memref<32x13312xi32, #tpu.memory_space<hbm>> -> memref<1x13312xi32, #tpu.memory_space<hbm>>
      %dma_wait3A_795 = tpu.memref_squeeze %dma_wait3A_794 : memref<1x13312xi32, #tpu.memory_space<hbm>> -> memref<13312xi32, #tpu.memory_space<hbm>>
      tpu.wait_dma2 semaphore(%run_scoped3A : memref<!tpu.dma_semaphore, #tpu.memory_space<semaphore_mem>>) src(%dma_wait3A_795 : memref<13312xi32, #tpu.memory_space<hbm>>) dst(%arg6 : memref<13312xi32, #tpu.memory_space<vmem>>)
      tpu.yield
    }) : () -> ()
    "tpu.region"() ({
      %run_scoped3A = tpu.sem_alloc : memref<!tpu.dma_semaphore, #tpu.memory_space<semaphore_mem>>
      tpu.enqueue_dma source(%arg3 : memref<128xi32, #tpu.memory_space<hbm>>) target(%arg8 : memref<128xi32, #tpu.memory_space<vmem>>) target_semaphore(%run_scoped3A : memref<!tpu.dma_semaphore, #tpu.memory_space<semaphore_mem>>)
      tpu.wait_dma2 semaphore(%run_scoped3A : memref<!tpu.dma_semaphore, #tpu.memory_space<semaphore_mem>>) src(%arg3 : memref<128xi32, #tpu.memory_space<hbm>>) dst(%arg8 : memref<128xi32, #tpu.memory_space<vmem>>)
      tpu.yield
    }) : () -> ()
    %iota3A = tpu.iota {dimensions = array<i32: 0>} : vector<16xi32>
    %add3A_3 = arith.constant 0 : i32
    %add3A_4 = vector.broadcast %add3A_3 : i32 to vector<16xi32>
    %add3A_5 = arith.addi %add3A_4, %iota3A : vector<16xi32>
    %rem3A = arith.constant 26 : i32
    %rem3A_6 = vector.broadcast %rem3A : i32 to vector<16xi32>
    %rem3A_7 = arith.remsi %add3A_5, %rem3A_6 : vector<16xi32>
    %gather3A = tpu.vector_load_idx %arg8[%rem3A_7] : memref<128xi32, #tpu.memory_space<vmem>>[vector<16xi32>], vector<16xi32>,
    %swap3A = arith.constant 0 : index
    %swap3A_8 = tpu.vector_load %arg9[%swap3A] {strides = array<i32>} : memref<104xi32, #tpu.memory_space<vmem>>, vector<16xi32>,
    tpu.vector_store %arg9[%swap3A], %gather3A {strides = array<i32>} : memref<104xi32, #tpu.memory_space<vmem>>, vector<16xi32>,
    %add3A_9 = arith.constant 16 : i32
    %add3A_10 = vector.broadcast %add3A_9 : i32 to vector<16xi32>
    %add3A_11 = arith.addi %add3A_10, %iota3A : vector<16xi32>
    %rem3A_12 = arith.constant 26 : i32
    %rem3A_13 = vector.broadcast %rem3A_12 : i32 to vector<16xi32>
    %rem3A_14 = arith.remsi %add3A_11, %rem3A_13 : vector<16xi32>
    %gather3A_15 = tpu.vector_load_idx %arg8[%rem3A_14] : memref<128xi32, #tpu.memory_space<vmem>>[vector<16xi32>], vector<16xi32>,
    %swap3A_16 = arith.constant 16 : index
    %swap3A_17 = tpu.vector_load %arg9[%swap3A_16] {strides = array<i32>} : memref<104xi32, #tpu.memory_space<vmem>>, vector<16xi32>,
    tpu.vector_store %arg9[%swap3A_16], %gather3A_15 {strides = array<i32>} : memref<104xi32, #tpu.memory_space<vmem>>, vector<16xi32>,
    %add3A_18 = arith.constant 32 : i32
    %add3A_19 = vector.broadcast %add3A_18 : i32 to vector<16xi32>
    %add3A_20 = arith.addi %add3A_19, %iota3A : vector<16xi32>
    %rem3A_21 = arith.constant 26 : i32
    %rem3A_22 = vector.broadcast %rem3A_21 : i32 to vector<16xi32>
    %rem3A_23 = arith.remsi %add3A_20, %rem3A_22 : vector<16xi32>
    %gather3A_24 = tpu.vector_load_idx %arg8[%rem3A_23] : memref<128xi32, #tpu.memory_space<vmem>>[vector<16xi32>], vector<16xi32>,
    %swap3A_25 = arith.constant 32 : index
    %swap3A_26 = tpu.vector_load %arg9[%swap3A_25] {strides = array<i32>} : memref<104xi32, #tpu.memory_space<vmem>>, vector<16xi32>,
    tpu.vector_store %arg9[%swap3A_25], %gather3A_24 {strides = array<i32>} : memref<104xi32, #tpu.memory_space<vmem>>, vector<16xi32>,
    %add3A_27 = arith.constant 48 : i32
    %add3A_28 = vector.broadcast %add3A_27 : i32 to vector<16xi32>
    %add3A_29 = arith.addi %add3A_28, %iota3A : vector<16xi32>
    %rem3A_30 = arith.constant 26 : i32
    %rem3A_31 = vector.broadcast %rem3A_30 : i32 to vector<16xi32>
    %rem3A_32 = arith.remsi %add3A_29, %rem3A_31 : vector<16xi32>
    %gather3A_33 = tpu.vector_load_idx %arg8[%rem3A_32] : memref<128xi32, #tpu.memory_space<vmem>>[vector<16xi32>], vector<16xi32>,
    %swap3A_34 = arith.constant 48 : index
    %swap3A_35 = tpu.vector_load %arg9[%swap3A_34] {strides = array<i32>} : memref<104xi32, #tpu.memory_space<vmem>>, vector<16xi32>,
    tpu.vector_store %arg9[%swap3A_34], %gather3A_33 {strides = array<i32>} : memref<104xi32, #tpu.memory_space<vmem>>, vector<16xi32>,
    %add3A_36 = arith.constant 64 : i32
    %add3A_37 = vector.broadcast %add3A_36 : i32 to vector<16xi32>
    %add3A_38 = arith.addi %add3A_37, %iota3A : vector<16xi32>
    %rem3A_39 = arith.constant 26 : i32
    %rem3A_40 = vector.broadcast %rem3A_39 : i32 to vector<16xi32>
    %rem3A_41 = arith.remsi %add3A_38, %rem3A_40 : vector<16xi32>
    %gather3A_42 = tpu.vector_load_idx %arg8[%rem3A_41] : memref<128xi32, #tpu.memory_space<vmem>>[vector<16xi32>], vector<16xi32>,
    %swap3A_43 = arith.constant 64 : index
    %swap3A_44 = tpu.vector_load %arg9[%swap3A_43] {strides = array<i32>} : memref<104xi32, #tpu.memory_space<vmem>>, vector<16xi32>,
    tpu.vector_store %arg9[%swap3A_43], %gather3A_42 {strides = array<i32>} : memref<104xi32, #tpu.memory_space<vmem>>, vector<16xi32>,
    %add3A_45 = arith.constant 80 : i32
    %add3A_46 = vector.broadcast %add3A_45 : i32 to vector<16xi32>
    %add3A_47 = arith.addi %add3A_46, %iota3A : vector<16xi32>
    %rem3A_48 = arith.constant 26 : i32
    %rem3A_49 = vector.broadcast %rem3A_48 : i32 to vector<16xi32>
    %rem3A_50 = arith.remsi %add3A_47, %rem3A_49 : vector<16xi32>
    %gather3A_51 = tpu.vector_load_idx %arg8[%rem3A_50] : memref<128xi32, #tpu.memory_space<vmem>>[vector<16xi32>], vector<16xi32>,
    %swap3A_52 = arith.constant 80 : index
    %swap3A_53 = tpu.vector_load %arg9[%swap3A_52] {strides = array<i32>} : memref<104xi32, #tpu.memory_space<vmem>>, vector<16xi32>,
    tpu.vector_store %arg9[%swap3A_52], %gather3A_51 {strides = array<i32>} : memref<104xi32, #tpu.memory_space<vmem>>, vector<16xi32>,
    %add3A_54 = arith.constant 88 : i32
    %add3A_55 = vector.broadcast %add3A_54 : i32 to vector<16xi32>
    %add3A_56 = arith.addi %add3A_55, %iota3A : vector<16xi32>
    %rem3A_57 = arith.constant 26 : i32
    %rem3A_58 = vector.broadcast %rem3A_57 : i32 to vector<16xi32>
    %rem3A_59 = arith.remsi %add3A_56, %rem3A_58 : vector<16xi32>
    %gather3A_60 = tpu.vector_load_idx %arg8[%rem3A_59] : memref<128xi32, #tpu.memory_space<vmem>>[vector<16xi32>], vector<16xi32>,
    %swap3A_61 = arith.constant 88 : index
    %swap3A_62 = tpu.vector_load %arg9[%swap3A_61] {strides = array<i32>} : memref<104xi32, #tpu.memory_space<vmem>>, vector<16xi32>,
    tpu.vector_store %arg9[%swap3A_61], %gather3A_60 {strides = array<i32>} : memref<104xi32, #tpu.memory_space<vmem>>, vector<16xi32>,
    %add3A_63 = arith.constant 0 : i32
    %add3A_64 = vector.broadcast %add3A_63 : i32 to vector<16xi32>
    %add3A_65 = arith.addi %add3A_64, %iota3A : vector<16xi32>
    %gather3A_66 = tpu.vector_load_idx %arg6[%add3A_65] : memref<13312xi32, #tpu.memory_space<vmem>>[vector<16xi32>], vector<16xi32>,
    %get3A = arith.constant 0 : index
    %get3A_67 = tpu.vector_load %arg9[%get3A] {strides = array<i32>} : memref<104xi32, #tpu.memory_space<vmem>>, vector<16xi32>,
    %add3A_68 = arith.addi %gather3A_66, %get3A_67 : vector<16xi32>
    %swap3A_69 = arith.constant 0 : i32
    %swap3A_70 = arith.index_cast %swap3A_69 : i32 to index
    %swap3A_71 = arith.constant 0 : index
    %swap3A_72 = tpu.vector_load %arg7[%swap3A_70, %swap3A_71] {strides = array<i32>} : memref<128x104xi32, #tpu.memory_space<vmem>>, vector<16xi32>,
    tpu.vector_store %arg7[%swap3A_70, %swap3A_71], %add3A_68 {strides = array<i32>} : memref<128x104xi32, #tpu.memory_space<vmem>>, vector<16xi32>,
    %add3A_73 = arith.constant 16 : i32
    %add3A_74 = vector.broadcast %add3A_73 : i32 to vector<16xi32>
    %add3A_75 = arith.addi %add3A_74, %iota3A : vector<16xi32>
    %gather3A_76 = tpu.vector_load_idx %arg6[%add3A_75] : memref<13312xi32, #tpu.memory_space<vmem>>[vector<16xi32>], vector<16xi32>,
    %get3A_77 = arith.constant 16 : index
    %get3A_78 = tpu.vector_load %arg9[%get3A_77] {strides = array<i32>} : memref<104xi32, #tpu.memory_space<vmem>>, vector<16xi32>,
    %add3A_79 = arith.addi %gather3A_76, %get3A_78 : vector<16xi32>
    %swap3A_80 = arith.constant 0 : i32
    %swap3A_81 = arith.index_cast %swap3A_80 : i32 to index
    %swap3A_82 = arith.constant 16 : index
    %swap3A_83 = tpu.vector_load %arg7[%swap3A_81, %swap3A_82] {strides = array<i32>} : memref<128x104xi32, #tpu.memory_space<vmem>>, vector<16xi32>,
    tpu.vector_store %arg7[%swap3A_81, %swap3A_82], %add3A_79 {strides = array<i32>} : memref<128x104xi32, #tpu.memory_space<vmem>>, vector<16xi32>,
    %add3A_84 = arith.constant 32 : i32
    %add3A_85 = vector.broadcast %add3A_84 : i32 to vector<16xi32>
    %add3A_86 = arith.addi %add3A_85, %iota3A : vector<16xi32>
    %gather3A_87 = tpu.vector_load_idx %arg6[%add3A_86] : memref<13312xi32, #tpu.memory_space<vmem>>[vector<16xi32>], vector<16xi32>,
    %get3A_88 = arith.constant 32 : index
    %get3A_89 = tpu.vector_load %arg9[%get3A_88] {strides = array<i32>} : memref<104xi32, #tpu.memory_space<vmem>>, vector<16xi32>,
    %add3A_90 = arith.addi %gather3A_87, %get3A_89 : vector<16xi32>
    %swap3A_91 = arith.constant 0 : i32
    %swap3A_92 = arith.index_cast %swap3A_91 : i32 to index
    %swap3A_93 = arith.constant 32 : index
    %swap3A_94 = tpu.vector_load %arg7[%swap3A_92, %swap3A_93] {strides = array<i32>} : memref<128x104xi32, #tpu.memory_space<vmem>>, vector<16xi32>,
    tpu.vector_store %arg7[%swap3A_92, %swap3A_93], %add3A_90 {strides = array<i32>} : memref<128x104xi32, #tpu.memory_space<vmem>>, vector<16xi32>,
    %add3A_95 = arith.constant 48 : i32
    %add3A_96 = vector.broadcast %add3A_95 : i32 to vector<16xi32>
    %add3A_97 = arith.addi %add3A_96, %iota3A : vector<16xi32>
    %gather3A_98 = tpu.vector_load_idx %arg6[%add3A_97] : memref<13312xi32, #tpu.memory_space<vmem>>[vector<16xi32>], vector<16xi32>,
    %get3A_99 = arith.constant 48 : index
    %get3A_100 = tpu.vector_load %arg9[%get3A_99] {strides = array<i32>} : memref<104xi32, #tpu.memory_space<vmem>>, vector<16xi32>,
    %add3A_101 = arith.addi %gather3A_98, %get3A_100 : vector<16xi32>
    %swap3A_102 = arith.constant 0 : i32
    %swap3A_103 = arith.index_cast %swap3A_102 : i32 to index
    %swap3A_104 = arith.constant 48 : index
    %swap3A_105 = tpu.vector_load %arg7[%swap3A_103, %swap3A_104] {strides = array<i32>} : memref<128x104xi32, #tpu.memory_space<vmem>>, vector<16xi32>,
    tpu.vector_store %arg7[%swap3A_103, %swap3A_104], %add3A_101 {strides = array<i32>} : memref<128x104xi32, #tpu.memory_space<vmem>>, vector<16xi32>,
    %add3A_106 = arith.constant 64 : i32
    %add3A_107 = vector.broadcast %add3A_106 : i32 to vector<16xi32>
    %add3A_108 = arith.addi %add3A_107, %iota3A : vector<16xi32>
    %gather3A_109 = tpu.vector_load_idx %arg6[%add3A_108] : memref<13312xi32, #tpu.memory_space<vmem>>[vector<16xi32>], vector<16xi32>,
    %get3A_110 = arith.constant 64 : index
    %get3A_111 = tpu.vector_load %arg9[%get3A_110] {strides = array<i32>} : memref<104xi32, #tpu.memory_space<vmem>>, vector<16xi32>,
    %add3A_112 = arith.addi %gather3A_109, %get3A_111 : vector<16xi32>
    %swap3A_113 = arith.constant 0 : i32
    %swap3A_114 = arith.index_cast %swap3A_113 : i32 to index
    %swap3A_115 = arith.constant 64 : index
    %swap3A_116 = tpu.vector_load %arg7[%swap3A_114, %swap3A_115] {strides = array<i32>} : memref<128x104xi32, #tpu.memory_space<vmem>>, vector<16xi32>,
    tpu.vector_store %arg7[%swap3A_114, %swap3A_115], %add3A_112 {strides = array<i32>} : memref<128x104xi32, #tpu.memory_space<vmem>>, vector<16xi32>,
    %add3A_117 = arith.constant 80 : i32
    %add3A_118 = vector.broadcast %add3A_117 : i32 to vector<16xi32>
    %add3A_119 = arith.addi %add3A_118, %iota3A : vector<16xi32>
    %gather3A_120 = tpu.vector_load_idx %arg6[%add3A_119] : memref<13312xi32, #tpu.memory_space<vmem>>[vector<16xi32>], vector<16xi32>,
    %get3A_121 = arith.constant 80 : index
    %get3A_122 = tpu.vector_load %arg9[%get3A_121] {strides = array<i32>} : memref<104xi32, #tpu.memory_space<vmem>>, vector<16xi32>,
    %add3A_123 = arith.addi %gather3A_120, %get3A_122 : vector<16xi32>
    %swap3A_124 = arith.constant 0 : i32
    %swap3A_125 = arith.index_cast %swap3A_124 : i32 to index
    %swap3A_126 = arith.constant 80 : index
    %swap3A_127 = tpu.vector_load %arg7[%swap3A_125, %swap3A_126] {strides = array<i32>} : memref<128x104xi32, #tpu.memory_space<vmem>>, vector<16xi32>,
    tpu.vector_store %arg7[%swap3A_125, %swap3A_126], %add3A_123 {strides = array<i32>} : memref<128x104xi32, #tpu.memory_space<vmem>>, vector<16xi32>,
    %add3A_128 = arith.constant 88 : i32
    %add3A_129 = vector.broadcast %add3A_128 : i32 to vector<16xi32>
    %add3A_130 = arith.addi %add3A_129, %iota3A : vector<16xi32>
    %gather3A_131 = tpu.vector_load_idx %arg6[%add3A_130] : memref<13312xi32, #tpu.memory_space<vmem>>[vector<16xi32>], vector<16xi32>,
    %get3A_132 = arith.constant 88 : index
    %get3A_133 = tpu.vector_load %arg9[%get3A_132] {strides = array<i32>} : memref<104xi32, #tpu.memory_space<vmem>>, vector<16xi32>,
    %add3A_134 = arith.addi %gather3A_131, %get3A_133 : vector<16xi32>
    %swap3A_135 = arith.constant 0 : i32
    %swap3A_136 = arith.index_cast %swap3A_135 : i32 to index
    %swap3A_137 = arith.constant 88 : index
    %swap3A_138 = tpu.vector_load %arg7[%swap3A_136, %swap3A_137] {strides = array<i32>} : memref<128x104xi32, #tpu.memory_space<vmem>>, vector<16xi32>,
    tpu.vector_store %arg7[%swap3A_136, %swap3A_137], %add3A_134 {strides = array<i32>} : memref<128x104xi32, #tpu.memory_space<vmem>>, vector<16xi32>,
    %dma_start3A = arith.constant 0 : i32
    %dma_start3A_139 = arith.constant 0 : i32
    %dma_start3A_140 = arith.constant 0 : i32
    %dma_start3A_141 = arith.constant 0 : i32
    %dma_start3A_142 = arith.constant 0 : i32
    %dma_start3A_143 = tpu.memref_slice %arg10[%dma_start3A_139, %dma_start3A_141, %dma_start3A_142] : memref<6x104x128xf32, #tpu.memory_space<vmem>> -> memref<1x104x128xf32, #tpu.memory_space<vmem>>
    %dma_start3A_144 = tpu.memref_squeeze %dma_start3A_143 : memref<1x104x128xf32, #tpu.memory_space<vmem>> -> memref<104x128xf32, #tpu.memory_space<vmem>>
    %dma_start3A_145 = arith.constant 0 : i32
    %dma_start3A_146 = tpu.memref_slice %arg7[%dma_start3A, %dma_start3A_145] : memref<128x104xi32, #tpu.memory_space<vmem>> -> memref<1x104xi32, #tpu.memory_space<vmem>>
    %dma_start3A_147 = tpu.memref_squeeze %dma_start3A_146 : memref<1x104xi32, #tpu.memory_space<vmem>> -> memref<104xi32, #tpu.memory_space<vmem>>
    %dma_start3A_148 = arith.constant 0 : i32
    %dma_start3A_149 = arith.constant 0 : i32
    %dma_start3A_150 = tpu.memref_slice %arg4[%dma_start3A_148, %dma_start3A_149] : memref<26000x128xf32, #tpu.memory_space<hbm>> -> memref<26000x128xf32, #tpu.memory_space<hbm>>
    %dma_start3A_151 = tpu.memref_slice %arg11[%dma_start3A_140] : memref<6x!tpu.dma_semaphore, #tpu.memory_space<semaphore_mem>> -> memref<1x!tpu.dma_semaphore, #tpu.memory_space<semaphore_mem>>
    %dma_start3A_152 = tpu.memref_squeeze %dma_start3A_151 : memref<1x!tpu.dma_semaphore, #tpu.memory_space<semaphore_mem>> -> memref<!tpu.dma_semaphore, #tpu.memory_space<semaphore_mem>>
    tpu.enqueue_indirect_dma source(%dma_start3A_150 : memref<26000x128xf32, #tpu.memory_space<hbm>>) target(%dma_start3A_144 : memref<104x128xf32, #tpu.memory_space<vmem>>) offsets(%dma_start3A_147 : memref<104xi32, #tpu.memory_space<vmem>>) semaphore(%dma_start3A_152 : memref<!tpu.dma_semaphore, #tpu.memory_space<semaphore_mem>>)
    %add3A_153 = arith.constant 104 : i32
    %add3A_154 = vector.broadcast %add3A_153 : i32 to vector<16xi32>
    %add3A_155 = arith.addi %add3A_154, %iota3A : vector<16xi32>
    %gather3A_156 = tpu.vector_load_idx %arg6[%add3A_155] : memref<13312xi32, #tpu.memory_space<vmem>>[vector<16xi32>], vector<16xi32>,
    %get3A_157 = arith.constant 0 : index
    %get3A_158 = tpu.vector_load %arg9[%get3A_157] {strides = array<i32>} : memref<104xi32, #tpu.memory_space<vmem>>, vector<16xi32>,
    %add3A_159 = arith.addi %gather3A_156, %get3A_158 : vector<16xi32>
    %swap3A_160 = arith.constant 1 : i32
    %swap3A_161 = arith.index_cast %swap3A_160 : i32 to index
    %swap3A_162 = arith.constant 0 : index
    %swap3A_163 = tpu.vector_load %arg7[%swap3A_161, %swap3A_162] {strides = array<i32>} : memref<128x104xi32, #tpu.memory_space<vmem>>, vector<16xi32>,
    tpu.vector_store %arg7[%swap3A_161, %swap3A_162], %add3A_159 {strides = array<i32>} : memref<128x104xi32, #tpu.memory_space<vmem>>, vector<16xi32>,
    %add3A_164 = arith.constant 120 : i32
    %add3A_165 = vector.broadcast %add3A_164 : i32 to vector<16xi32>
    %add3A_166 = arith.addi %add3A_165, %iota3A : vector<16xi32>
    %gather3A_167 = tpu.vector_load_idx %arg6[%add3A_166] : memref<13312xi32, #tpu.memory_space<vmem>>[vector<16xi32>], vector<16xi32>,
    %get3A_168 = arith.constant 16 : index
    %get3A_169 = tpu.vector_load %arg9[%get3A_168] {strides = array<i32>} : memref<104xi32, #tpu.memory_space<vmem>>, vector<16xi32>,
    %add3A_170 = arith.addi %gather3A_167, %get3A_169 : vector<16xi32>
    %swap3A_171 = arith.constant 1 : i32
    %swap3A_172 = arith.index_cast %swap3A_171 : i32 to index
    %swap3A_173 = arith.constant 16 : index
    %swap3A_174 = tpu.vector_load %arg7[%swap3A_172, %swap3A_173] {strides = array<i32>} : memref<128x104xi32, #tpu.memory_space<vmem>>, vector<16xi32>,
    tpu.vector_store %arg7[%swap3A_172, %swap3A_173], %add3A_170 {strides = array<i32>} : memref<128x104xi32, #tpu.memory_space<vmem>>, vector<16xi32>,
    %add3A_175 = arith.constant 136 : i32
    %add3A_176 = vector.broadcast %add3A_175 : i32 to vector<16xi32>
    %add3A_177 = arith.addi %add3A_176, %iota3A : vector<16xi32>
    %gather3A_178 = tpu.vector_load_idx %arg6[%add3A_177] : memref<13312xi32, #tpu.memory_space<vmem>>[vector<16xi32>], vector<16xi32>,
    %get3A_179 = arith.constant 32 : index
    %get3A_180 = tpu.vector_load %arg9[%get3A_179] {strides = array<i32>} : memref<104xi32, #tpu.memory_space<vmem>>, vector<16xi32>,
    %add3A_181 = arith.addi %gather3A_178, %get3A_180 : vector<16xi32>
    %swap3A_182 = arith.constant 1 : i32
    %swap3A_183 = arith.index_cast %swap3A_182 : i32 to index
    %swap3A_184 = arith.constant 32 : index
    %swap3A_185 = tpu.vector_load %arg7[%swap3A_183, %swap3A_184] {strides = array<i32>} : memref<128x104xi32, #tpu.memory_space<vmem>>, vector<16xi32>,
    tpu.vector_store %arg7[%swap3A_183, %swap3A_184], %add3A_181 {strides = array<i32>} : memref<128x104xi32, #tpu.memory_space<vmem>>, vector<16xi32>,
    %add3A_186 = arith.constant 152 : i32
    %add3A_187 = vector.broadcast %add3A_186 : i32 to vector<16xi32>
    %add3A_188 = arith.addi %add3A_187, %iota3A : vector<16xi32>
    %gather3A_189 = tpu.vector_load_idx %arg6[%add3A_188] : memref<13312xi32, #tpu.memory_space<vmem>>[vector<16xi32>], vector<16xi32>,
    %get3A_190 = arith.constant 48 : index
    %get3A_191 = tpu.vector_load %arg9[%get3A_190] {strides = array<i32>} : memref<104xi32, #tpu.memory_space<vmem>>, vector<16xi32>,
    %add3A_192 = arith.addi %gather3A_189, %get3A_191 : vector<16xi32>
    %swap3A_193 = arith.constant 1 : i32
    %swap3A_194 = arith.index_cast %swap3A_193 : i32 to index
    %swap3A_195 = arith.constant 48 : index
    %swap3A_196 = tpu.vector_load %arg7[%swap3A_194, %swap3A_195] {strides = array<i32>} : memref<128x104xi32, #tpu.memory_space<vmem>>, vector<16xi32>,
    tpu.vector_store %arg7[%swap3A_194, %swap3A_195], %add3A_192 {strides = array<i32>} : memref<128x104xi32, #tpu.memory_space<vmem>>, vector<16xi32>,
    %add3A_197 = arith.constant 168 : i32
    %add3A_198 = vector.broadcast %add3A_197 : i32 to vector<16xi32>
    %add3A_199 = arith.addi %add3A_198, %iota3A : vector<16xi32>
    %gather3A_200 = tpu.vector_load_idx %arg6[%add3A_199] : memref<13312xi32, #tpu.memory_space<vmem>>[vector<16xi32>], vector<16xi32>,
    %get3A_201 = arith.constant 64 : index
    %get3A_202 = tpu.vector_load %arg9[%get3A_201] {strides = array<i32>} : memref<104xi32, #tpu.memory_space<vmem>>, vector<16xi32>,
    %add3A_203 = arith.addi %gather3A_200, %get3A_202 : vector<16xi32>
    %swap3A_204 = arith.constant 1 : i32
    %swap3A_205 = arith.index_cast %swap3A_204 : i32 to index
    %swap3A_206 = arith.constant 64 : index
    %swap3A_207 = tpu.vector_load %arg7[%swap3A_205, %swap3A_206] {strides = array<i32>} : memref<128x104xi32, #tpu.memory_space<vmem>>, vector<16xi32>,
    tpu.vector_store %arg7[%swap3A_205, %swap3A_206], %add3A_203 {strides = array<i32>} : memref<128x104xi32, #tpu.memory_space<vmem>>, vector<16xi32>,
    %add3A_208 = arith.constant 184 : i32
    %add3A_209 = vector.broadcast %add3A_208 : i32 to vector<16xi32>
    %add3A_210 = arith.addi %add3A_209, %iota3A : vector<16xi32>
    %gather3A_211 = tpu.vector_load_idx %arg6[%add3A_210] : memref<13312xi32, #tpu.memory_space<vmem>>[vector<16xi32>], vector<16xi32>,
    %get3A_212 = arith.constant 80 : index
    %get3A_213 = tpu.vector_load %arg9[%get3A_212] {strides = array<i32>} : memref<104xi32, #tpu.memory_space<vmem>>, vector<16xi32>,
    %add3A_214 = arith.addi %gather3A_211, %get3A_213 : vector<16xi32>
    %swap3A_215 = arith.constant 1 : i32
    %swap3A_216 = arith.index_cast %swap3A_215 : i32 to index
    %swap3A_217 = arith.constant 80 : index
    %swap3A_218 = tpu.vector_load %arg7[%swap3A_216, %swap3A_217] {strides = array<i32>} : memref<128x104xi32, #tpu.memory_space<vmem>>, vector<16xi32>,
    tpu.vector_store %arg7[%swap3A_216, %swap3A_217], %add3A_214 {strides = array<i32>} : memref<128x104xi32, #tpu.memory_space<vmem>>, vector<16xi32>,
    %add3A_219 = arith.constant 192 : i32
    %add3A_220 = vector.broadcast %add3A_219 : i32 to vector<16xi32>
    %add3A_221 = arith.addi %add3A_220, %iota3A : vector<16xi32>
    %gather3A_222 = tpu.vector_load_idx %arg6[%add3A_221] : memref<13312xi32, #tpu.memory_space<vmem>>[vector<16xi32>], vector<16xi32>,
    %get3A_223 = arith.constant 88 : index
    %get3A_224 = tpu.vector_load %arg9[%get3A_223] {strides = array<i32>} : memref<104xi32, #tpu.memory_space<vmem>>, vector<16xi32>,
    %add3A_225 = arith.addi %gather3A_222, %get3A_224 : vector<16xi32>
    %swap3A_226 = arith.constant 1 : i32
    %swap3A_227 = arith.index_cast %swap3A_226 : i32 to index
    %swap3A_228 = arith.constant 88 : index
    %swap3A_229 = tpu.vector_load %arg7[%swap3A_227, %swap3A_228] {strides = array<i32>} : memref<128x104xi32, #tpu.memory_space<vmem>>, vector<16xi32>,
    tpu.vector_store %arg7[%swap3A_227, %swap3A_228], %add3A_225 {strides = array<i32>} : memref<128x104xi32, #tpu.memory_space<vmem>>, vector<16xi32>,
    %dma_start3A_230 = arith.constant 1 : i32
    %dma_start3A_231 = arith.constant 1 : i32
    %dma_start3A_232 = arith.constant 1 : i32
    %dma_start3A_233 = arith.constant 0 : i32
    %dma_start3A_234 = arith.constant 0 : i32
    %dma_start3A_235 = tpu.memref_slice %arg10[%dma_start3A_231, %dma_start3A_233, %dma_start3A_234] : memref<6x104x128xf32, #tpu.memory_space<vmem>> -> memref<1x104x128xf32, #tpu.memory_space<vmem>>
    %dma_start3A_236 = tpu.memref_squeeze %dma_start3A_235 : memref<1x104x128xf32, #tpu.memory_space<vmem>> -> memref<104x128xf32, #tpu.memory_space<vmem>>
    %dma_start3A_237 = arith.constant 0 : i32
    %dma_start3A_238 = tpu.memref_slice %arg7[%dma_start3A_230, %dma_start3A_237] : memref<128x104xi32, #tpu.memory_space<vmem>> -> memref<1x104xi32, #tpu.memory_space<vmem>>
    %dma_start3A_239 = tpu.memref_squeeze %dma_start3A_238 : memref<1x104xi32, #tpu.memory_space<vmem>> -> memref<104xi32, #tpu.memory_space<vmem>>
    %dma_start3A_240 = arith.constant 0 : i32
    %dma_start3A_241 = arith.constant 0 : i32
    %dma_start3A_242 = tpu.memref_slice %arg4[%dma_start3A_240, %dma_start3A_241] : memref<26000x128xf32, #tpu.memory_space<hbm>> -> memref<26000x128xf32, #tpu.memory_space<hbm>>
    %dma_start3A_243 = tpu.memref_slice %arg11[%dma_start3A_232] : memref<6x!tpu.dma_semaphore, #tpu.memory_space<semaphore_mem>> -> memref<1x!tpu.dma_semaphore, #tpu.memory_space<semaphore_mem>>
    %dma_start3A_244 = tpu.memref_squeeze %dma_start3A_243 : memref<1x!tpu.dma_semaphore, #tpu.memory_space<semaphore_mem>> -> memref<!tpu.dma_semaphore, #tpu.memory_space<semaphore_mem>>
    tpu.enqueue_indirect_dma source(%dma_start3A_242 : memref<26000x128xf32, #tpu.memory_space<hbm>>) target(%dma_start3A_236 : memref<104x128xf32, #tpu.memory_space<vmem>>) offsets(%dma_start3A_239 : memref<104xi32, #tpu.memory_space<vmem>>) semaphore(%dma_start3A_244 : memref<!tpu.dma_semaphore, #tpu.memory_space<semaphore_mem>>)
    %add3A_245 = arith.constant 208 : i32
    %add3A_246 = vector.broadcast %add3A_245 : i32 to vector<16xi32>
    %add3A_247 = arith.addi %add3A_246, %iota3A : vector<16xi32>
    %gather3A_248 = tpu.vector_load_idx %arg6[%add3A_247] : memref<13312xi32, #tpu.memory_space<vmem>>[vector<16xi32>], vector<16xi32>,
    %get3A_249 = arith.constant 0 : index
    %get3A_250 = tpu.vector_load %arg9[%get3A_249] {strides = array<i32>} : memref<104xi32, #tpu.memory_space<vmem>>, vector<16xi32>,
    %add3A_251 = arith.addi %gather3A_248, %get3A_250 : vector<16xi32>
    %swap3A_252 = arith.constant 2 : i32
    %swap3A_253 = arith.index_cast %swap3A_252 : i32 to index
    %swap3A_254 = arith.constant 0 : index
    %swap3A_255 = tpu.vector_load %arg7[%swap3A_253, %swap3A_254] {strides = array<i32>} : memref<128x104xi32, #tpu.memory_space<vmem>>, vector<16xi32>,
    tpu.vector_store %arg7[%swap3A_253, %swap3A_254], %add3A_251 {strides = array<i32>} : memref<128x104xi32, #tpu.memory_space<vmem>>, vector<16xi32>,
    %add3A_256 = arith.constant 224 : i32
    %add3A_257 = vector.broadcast %add3A_256 : i32 to vector<16xi32>
    %add3A_258 = arith.addi %add3A_257, %iota3A : vector<16xi32>
    %gather3A_259 = tpu.vector_load_idx %arg6[%add3A_258] : memref<13312xi32, #tpu.memory_space<vmem>>[vector<16xi32>], vector<16xi32>,
    %get3A_260 = arith.constant 16 : index
    %get3A_261 = tpu.vector_load %arg9[%get3A_260] {strides = array<i32>} : memref<104xi32, #tpu.memory_space<vmem>>, vector<16xi32>,
    %add3A_262 = arith.addi %gather3A_259, %get3A_261 : vector<16xi32>
    %swap3A_263 = arith.constant 2 : i32
    %swap3A_264 = arith.index_cast %swap3A_263 : i32 to index
    %swap3A_265 = arith.constant 16 : index
    %swap3A_266 = tpu.vector_load %arg7[%swap3A_264, %swap3A_265] {strides = array<i32>} : memref<128x104xi32, #tpu.memory_space<vmem>>, vector<16xi32>,
    tpu.vector_store %arg7[%swap3A_264, %swap3A_265], %add3A_262 {strides = array<i32>} : memref<128x104xi32, #tpu.memory_space<vmem>>, vector<16xi32>,
    %add3A_267 = arith.constant 240 : i32
    %add3A_268 = vector.broadcast %add3A_267 : i32 to vector<16xi32>
    %add3A_269 = arith.addi %add3A_268, %iota3A : vector<16xi32>
    %gather3A_270 = tpu.vector_load_idx %arg6[%add3A_269] : memref<13312xi32, #tpu.memory_space<vmem>>[vector<16xi32>], vector<16xi32>,
    %get3A_271 = arith.constant 32 : index
    %get3A_272 = tpu.vector_load %arg9[%get3A_271] {strides = array<i32>} : memref<104xi32, #tpu.memory_space<vmem>>, vector<16xi32>,
    %add3A_273 = arith.addi %gather3A_270, %get3A_272 : vector<16xi32>
    %swap3A_274 = arith.constant 2 : i32
    %swap3A_275 = arith.index_cast %swap3A_274 : i32 to index
    %swap3A_276 = arith.constant 32 : index
    %swap3A_277 = tpu.vector_load %arg7[%swap3A_275, %swap3A_276] {strides = array<i32>} : memref<128x104xi32, #tpu.memory_space<vmem>>, vector<16xi32>,
    tpu.vector_store %arg7[%swap3A_275, %swap3A_276], %add3A_273 {strides = array<i32>} : memref<128x104xi32, #tpu.memory_space<vmem>>, vector<16xi32>,
    %add3A_278 = arith.constant 256 : i32
    %add3A_279 = vector.broadcast %add3A_278 : i32 to vector<16xi32>
    %add3A_280 = arith.addi %add3A_279, %iota3A : vector<16xi32>
    %gather3A_281 = tpu.vector_load_idx %arg6[%add3A_280] : memref<13312xi32, #tpu.memory_space<vmem>>[vector<16xi32>], vector<16xi32>,
    %get3A_282 = arith.constant 48 : index
    %get3A_283 = tpu.vector_load %arg9[%get3A_282] {strides = array<i32>} : memref<104xi32, #tpu.memory_space<vmem>>, vector<16xi32>,
    %add3A_284 = arith.addi %gather3A_281, %get3A_283 : vector<16xi32>
    %swap3A_285 = arith.constant 2 : i32
    %swap3A_286 = arith.index_cast %swap3A_285 : i32 to index
    %swap3A_287 = arith.constant 48 : index
    %swap3A_288 = tpu.vector_load %arg7[%swap3A_286, %swap3A_287] {strides = array<i32>} : memref<128x104xi32, #tpu.memory_space<vmem>>, vector<16xi32>,
    tpu.vector_store %arg7[%swap3A_286, %swap3A_287], %add3A_284 {strides = array<i32>} : memref<128x104xi32, #tpu.memory_space<vmem>>, vector<16xi32>,
    %add3A_289 = arith.constant 272 : i32
    %add3A_290 = vector.broadcast %add3A_289 : i32 to vector<16xi32>
    %add3A_291 = arith.addi %add3A_290, %iota3A : vector<16xi32>
    %gather3A_292 = tpu.vector_load_idx %arg6[%add3A_291] : memref<13312xi32, #tpu.memory_space<vmem>>[vector<16xi32>], vector<16xi32>,
    %get3A_293 = arith.constant 64 : index
    %get3A_294 = tpu.vector_load %arg9[%get3A_293] {strides = array<i32>} : memref<104xi32, #tpu.memory_space<vmem>>, vector<16xi32>,
    %add3A_295 = arith.addi %gather3A_292, %get3A_294 : vector<16xi32>
    %swap3A_296 = arith.constant 2 : i32
    %swap3A_297 = arith.index_cast %swap3A_296 : i32 to index
    %swap3A_298 = arith.constant 64 : index
    %swap3A_299 = tpu.vector_load %arg7[%swap3A_297, %swap3A_298] {strides = array<i32>} : memref<128x104xi32, #tpu.memory_space<vmem>>, vector<16xi32>,
    tpu.vector_store %arg7[%swap3A_297, %swap3A_298], %add3A_295 {strides = array<i32>} : memref<128x104xi32, #tpu.memory_space<vmem>>, vector<16xi32>,
    %add3A_300 = arith.constant 288 : i32
    %add3A_301 = vector.broadcast %add3A_300 : i32 to vector<16xi32>
    %add3A_302 = arith.addi %add3A_301, %iota3A : vector<16xi32>
    %gather3A_303 = tpu.vector_load_idx %arg6[%add3A_302] : memref<13312xi32, #tpu.memory_space<vmem>>[vector<16xi32>], vector<16xi32>,
    %get3A_304 = arith.constant 80 : index
    %get3A_305 = tpu.vector_load %arg9[%get3A_304] {strides = array<i32>} : memref<104xi32, #tpu.memory_space<vmem>>, vector<16xi32>,
    %add3A_306 = arith.addi %gather3A_303, %get3A_305 : vector<16xi32>
    %swap3A_307 = arith.constant 2 : i32
    %swap3A_308 = arith.index_cast %swap3A_307 : i32 to index
    %swap3A_309 = arith.constant 80 : index
    %swap3A_310 = tpu.vector_load %arg7[%swap3A_308, %swap3A_309] {strides = array<i32>} : memref<128x104xi32, #tpu.memory_space<vmem>>, vector<16xi32>,
    tpu.vector_store %arg7[%swap3A_308, %swap3A_309], %add3A_306 {strides = array<i32>} : memref<128x104xi32, #tpu.memory_space<vmem>>, vector<16xi32>,
    %add3A_311 = arith.constant 296 : i32
    %add3A_312 = vector.broadcast %add3A_311 : i32 to vector<16xi32>
    %add3A_313 = arith.addi %add3A_312, %iota3A : vector<16xi32>
    %gather3A_314 = tpu.vector_load_idx %arg6[%add3A_313] : memref<13312xi32, #tpu.memory_space<vmem>>[vector<16xi32>], vector<16xi32>,
    %get3A_315 = arith.constant 88 : index
    %get3A_316 = tpu.vector_load %arg9[%get3A_315] {strides = array<i32>} : memref<104xi32, #tpu.memory_space<vmem>>, vector<16xi32>,
    %add3A_317 = arith.addi %gather3A_314, %get3A_316 : vector<16xi32>
    %swap3A_318 = arith.constant 2 : i32
    %swap3A_319 = arith.index_cast %swap3A_318 : i32 to index
    %swap3A_320 = arith.constant 88 : index
    %swap3A_321 = tpu.vector_load %arg7[%swap3A_319, %swap3A_320] {strides = array<i32>} : memref<128x104xi32, #tpu.memory_space<vmem>>, vector<16xi32>,
    tpu.vector_store %arg7[%swap3A_319, %swap3A_320], %add3A_317 {strides = array<i32>} : memref<128x104xi32, #tpu.memory_space<vmem>>, vector<16xi32>,
    %dma_start3A_322 = arith.constant 2 : i32
    %dma_start3A_323 = arith.constant 2 : i32
    %dma_start3A_324 = arith.constant 2 : i32
    %dma_start3A_325 = arith.constant 0 : i32
    %dma_start3A_326 = arith.constant 0 : i32
    %dma_start3A_327 = tpu.memref_slice %arg10[%dma_start3A_323, %dma_start3A_325, %dma_start3A_326] : memref<6x104x128xf32, #tpu.memory_space<vmem>> -> memref<1x104x128xf32, #tpu.memory_space<vmem>>
    %dma_start3A_328 = tpu.memref_squeeze %dma_start3A_327 : memref<1x104x128xf32, #tpu.memory_space<vmem>> -> memref<104x128xf32, #tpu.memory_space<vmem>>
    %dma_start3A_329 = arith.constant 0 : i32
    %dma_start3A_330 = tpu.memref_slice %arg7[%dma_start3A_322, %dma_start3A_329] : memref<128x104xi32, #tpu.memory_space<vmem>> -> memref<1x104xi32, #tpu.memory_space<vmem>>
    %dma_start3A_331 = tpu.memref_squeeze %dma_start3A_330 : memref<1x104xi32, #tpu.memory_space<vmem>> -> memref<104xi32, #tpu.memory_space<vmem>>
    %dma_start3A_332 = arith.constant 0 : i32
    %dma_start3A_333 = arith.constant 0 : i32
    %dma_start3A_334 = tpu.memref_slice %arg4[%dma_start3A_332, %dma_start3A_333] : memref<26000x128xf32, #tpu.memory_space<hbm>> -> memref<26000x128xf32, #tpu.memory_space<hbm>>
    %dma_start3A_335 = tpu.memref_slice %arg11[%dma_start3A_324] : memref<6x!tpu.dma_semaphore, #tpu.memory_space<semaphore_mem>> -> memref<1x!tpu.dma_semaphore, #tpu.memory_space<semaphore_mem>>
    %dma_start3A_336 = tpu.memref_squeeze %dma_start3A_335 : memref<1x!tpu.dma_semaphore, #tpu.memory_space<semaphore_mem>> -> memref<!tpu.dma_semaphore, #tpu.memory_space<semaphore_mem>>
    tpu.enqueue_indirect_dma source(%dma_start3A_334 : memref<26000x128xf32, #tpu.memory_space<hbm>>) target(%dma_start3A_328 : memref<104x128xf32, #tpu.memory_space<vmem>>) offsets(%dma_start3A_331 : memref<104xi32, #tpu.memory_space<vmem>>) semaphore(%dma_start3A_336 : memref<!tpu.dma_semaphore, #tpu.memory_space<semaphore_mem>>)
    %add3A_337 = arith.constant 312 : i32
    %add3A_338 = vector.broadcast %add3A_337 : i32 to vector<16xi32>
    %add3A_339 = arith.addi %add3A_338, %iota3A : vector<16xi32>
    %gather3A_340 = tpu.vector_load_idx %arg6[%add3A_339] : memref<13312xi32, #tpu.memory_space<vmem>>[vector<16xi32>], vector<16xi32>,
    %get3A_341 = arith.constant 0 : index
    %get3A_342 = tpu.vector_load %arg9[%get3A_341] {strides = array<i32>} : memref<104xi32, #tpu.memory_space<vmem>>, vector<16xi32>,
    %add3A_343 = arith.addi %gather3A_340, %get3A_342 : vector<16xi32>
    %swap3A_344 = arith.constant 3 : i32
    %swap3A_345 = arith.index_cast %swap3A_344 : i32 to index
    %swap3A_346 = arith.constant 0 : index
    %swap3A_347 = tpu.vector_load %arg7[%swap3A_345, %swap3A_346] {strides = array<i32>} : memref<128x104xi32, #tpu.memory_space<vmem>>, vector<16xi32>,
    tpu.vector_store %arg7[%swap3A_345, %swap3A_346], %add3A_343 {strides = array<i32>} : memref<128x104xi32, #tpu.memory_space<vmem>>, vector<16xi32>,
    %add3A_348 = arith.constant 328 : i32
    %add3A_349 = vector.broadcast %add3A_348 : i32 to vector<16xi32>
    %add3A_350 = arith.addi %add3A_349, %iota3A : vector<16xi32>
    %gather3A_351 = tpu.vector_load_idx %arg6[%add3A_350] : memref<13312xi32, #tpu.memory_space<vmem>>[vector<16xi32>], vector<16xi32>,
    %get3A_352 = arith.constant 16 : index
    %get3A_353 = tpu.vector_load %arg9[%get3A_352] {strides = array<i32>} : memref<104xi32, #tpu.memory_space<vmem>>, vector<16xi32>,
    %add3A_354 = arith.addi %gather3A_351, %get3A_353 : vector<16xi32>
    %swap3A_355 = arith.constant 3 : i32
    %swap3A_356 = arith.index_cast %swap3A_355 : i32 to index
    %swap3A_357 = arith.constant 16 : index
    %swap3A_358 = tpu.vector_load %arg7[%swap3A_356, %swap3A_357] {strides = array<i32>} : memref<128x104xi32, #tpu.memory_space<vmem>>, vector<16xi32>,
    tpu.vector_store %arg7[%swap3A_356, %swap3A_357], %add3A_354 {strides = array<i32>} : memref<128x104xi32, #tpu.memory_space<vmem>>, vector<16xi32>,
    %add3A_359 = arith.constant 344 : i32
    %add3A_360 = vector.broadcast %add3A_359 : i32 to vector<16xi32>
    %add3A_361 = arith.addi %add3A_360, %iota3A : vector<16xi32>
    %gather3A_362 = tpu.vector_load_idx %arg6[%add3A_361] : memref<13312xi32, #tpu.memory_space<vmem>>[vector<16xi32>], vector<16xi32>,
    %get3A_363 = arith.constant 32 : index
    %get3A_364 = tpu.vector_load %arg9[%get3A_363] {strides = array<i32>} : memref<104xi32, #tpu.memory_space<vmem>>, vector<16xi32>,
    %add3A_365 = arith.addi %gather3A_362, %get3A_364 : vector<16xi32>
    %swap3A_366 = arith.constant 3 : i32
    %swap3A_367 = arith.index_cast %swap3A_366 : i32 to index
    %swap3A_368 = arith.constant 32 : index
    %swap3A_369 = tpu.vector_load %arg7[%swap3A_367, %swap3A_368] {strides = array<i32>} : memref<128x104xi32, #tpu.memory_space<vmem>>, vector<16xi32>,
    tpu.vector_store %arg7[%swap3A_367, %swap3A_368], %add3A_365 {strides = array<i32>} : memref<128x104xi32, #tpu.memory_space<vmem>>, vector<16xi32>,
    %add3A_370 = arith.constant 360 : i32
    %add3A_371 = vector.broadcast %add3A_370 : i32 to vector<16xi32>
    %add3A_372 = arith.addi %add3A_371, %iota3A : vector<16xi32>
    %gather3A_373 = tpu.vector_load_idx %arg6[%add3A_372] : memref<13312xi32, #tpu.memory_space<vmem>>[vector<16xi32>], vector<16xi32>,
    %get3A_374 = arith.constant 48 : index
    %get3A_375 = tpu.vector_load %arg9[%get3A_374] {strides = array<i32>} : memref<104xi32, #tpu.memory_space<vmem>>, vector<16xi32>,
    %add3A_376 = arith.addi %gather3A_373, %get3A_375 : vector<16xi32>
    %swap3A_377 = arith.constant 3 : i32
    %swap3A_378 = arith.index_cast %swap3A_377 : i32 to index
    %swap3A_379 = arith.constant 48 : index
    %swap3A_380 = tpu.vector_load %arg7[%swap3A_378, %swap3A_379] {strides = array<i32>} : memref<128x104xi32, #tpu.memory_space<vmem>>, vector<16xi32>,
    tpu.vector_store %arg7[%swap3A_378, %swap3A_379], %add3A_376 {strides = array<i32>} : memref<128x104xi32, #tpu.memory_space<vmem>>, vector<16xi32>,
    %add3A_381 = arith.constant 376 : i32
    %add3A_382 = vector.broadcast %add3A_381 : i32 to vector<16xi32>
    %add3A_383 = arith.addi %add3A_382, %iota3A : vector<16xi32>
    %gather3A_384 = tpu.vector_load_idx %arg6[%add3A_383] : memref<13312xi32, #tpu.memory_space<vmem>>[vector<16xi32>], vector<16xi32>,
    %get3A_385 = arith.constant 64 : index
    %get3A_386 = tpu.vector_load %arg9[%get3A_385] {strides = array<i32>} : memref<104xi32, #tpu.memory_space<vmem>>, vector<16xi32>,
    %add3A_387 = arith.addi %gather3A_384, %get3A_386 : vector<16xi32>
    %swap3A_388 = arith.constant 3 : i32
    %swap3A_389 = arith.index_cast %swap3A_388 : i32 to index
    %swap3A_390 = arith.constant 64 : index
    %swap3A_391 = tpu.vector_load %arg7[%swap3A_389, %swap3A_390] {strides = array<i32>} : memref<128x104xi32, #tpu.memory_space<vmem>>, vector<16xi32>,
    tpu.vector_store %arg7[%swap3A_389, %swap3A_390], %add3A_387 {strides = array<i32>} : memref<128x104xi32, #tpu.memory_space<vmem>>, vector<16xi32>,
    %add3A_392 = arith.constant 392 : i32
    %add3A_393 = vector.broadcast %add3A_392 : i32 to vector<16xi32>
    %add3A_394 = arith.addi %add3A_393, %iota3A : vector<16xi32>
    %gather3A_395 = tpu.vector_load_idx %arg6[%add3A_394] : memref<13312xi32, #tpu.memory_space<vmem>>[vector<16xi32>], vector<16xi32>,
    %get3A_396 = arith.constant 80 : index
    %get3A_397 = tpu.vector_load %arg9[%get3A_396] {strides = array<i32>} : memref<104xi32, #tpu.memory_space<vmem>>, vector<16xi32>,
    %add3A_398 = arith.addi %gather3A_395, %get3A_397 : vector<16xi32>
    %swap3A_399 = arith.constant 3 : i32
    %swap3A_400 = arith.index_cast %swap3A_399 : i32 to index
    %swap3A_401 = arith.constant 80 : index
    %swap3A_402 = tpu.vector_load %arg7[%swap3A_400, %swap3A_401] {strides = array<i32>} : memref<128x104xi32, #tpu.memory_space<vmem>>, vector<16xi32>,
    tpu.vector_store %arg7[%swap3A_400, %swap3A_401], %add3A_398 {strides = array<i32>} : memref<128x104xi32, #tpu.memory_space<vmem>>, vector<16xi32>,
    %add3A_403 = arith.constant 400 : i32
    %add3A_404 = vector.broadcast %add3A_403 : i32 to vector<16xi32>
    %add3A_405 = arith.addi %add3A_404, %iota3A : vector<16xi32>
    %gather3A_406 = tpu.vector_load_idx %arg6[%add3A_405] : memref<13312xi32, #tpu.memory_space<vmem>>[vector<16xi32>], vector<16xi32>,
    %get3A_407 = arith.constant 88 : index
    %get3A_408 = tpu.vector_load %arg9[%get3A_407] {strides = array<i32>} : memref<104xi32, #tpu.memory_space<vmem>>, vector<16xi32>,
    %add3A_409 = arith.addi %gather3A_406, %get3A_408 : vector<16xi32>
    %swap3A_410 = arith.constant 3 : i32
    %swap3A_411 = arith.index_cast %swap3A_410 : i32 to index
    %swap3A_412 = arith.constant 88 : index
    %swap3A_413 = tpu.vector_load %arg7[%swap3A_411, %swap3A_412] {strides = array<i32>} : memref<128x104xi32, #tpu.memory_space<vmem>>, vector<16xi32>,
    tpu.vector_store %arg7[%swap3A_411, %swap3A_412], %add3A_409 {strides = array<i32>} : memref<128x104xi32, #tpu.memory_space<vmem>>, vector<16xi32>,
    %add3A_414 = arith.constant 416 : i32
    %add3A_415 = vector.broadcast %add3A_414 : i32 to vector<16xi32>
    %add3A_416 = arith.addi %add3A_415, %iota3A : vector<16xi32>
    %gather3A_417 = tpu.vector_load_idx %arg6[%add3A_416] : memref<13312xi32, #tpu.memory_space<vmem>>[vector<16xi32>], vector<16xi32>,
    %get3A_418 = arith.constant 0 : index
    %get3A_419 = tpu.vector_load %arg9[%get3A_418] {strides = array<i32>} : memref<104xi32, #tpu.memory_space<vmem>>, vector<16xi32>,
    %add3A_420 = arith.addi %gather3A_417, %get3A_419 : vector<16xi32>
    %swap3A_421 = arith.constant 4 : i32
    %swap3A_422 = arith.index_cast %swap3A_421 : i32 to index
    %swap3A_423 = arith.constant 0 : index
    %swap3A_424 = tpu.vector_load %arg7[%swap3A_422, %swap3A_423] {strides = array<i32>} : memref<128x104xi32, #tpu.memory_space<vmem>>, vector<16xi32>,
    tpu.vector_store %arg7[%swap3A_422, %swap3A_423], %add3A_420 {strides = array<i32>} : memref<128x104xi32, #tpu.memory_space<vmem>>, vector<16xi32>,
    %add3A_425 = arith.constant 432 : i32
    %add3A_426 = vector.broadcast %add3A_425 : i32 to vector<16xi32>
    %add3A_427 = arith.addi %add3A_426, %iota3A : vector<16xi32>
    %gather3A_428 = tpu.vector_load_idx %arg6[%add3A_427] : memref<13312xi32, #tpu.memory_space<vmem>>[vector<16xi32>], vector<16xi32>,
    %get3A_429 = arith.constant 16 : index
    %get3A_430 = tpu.vector_load %arg9[%get3A_429] {strides = array<i32>} : memref<104xi32, #tpu.memory_space<vmem>>, vector<16xi32>,
    %add3A_431 = arith.addi %gather3A_428, %get3A_430 : vector<16xi32>
    %swap3A_432 = arith.constant 4 : i32
    %swap3A_433 = arith.index_cast %swap3A_432 : i32 to index
    %swap3A_434 = arith.constant 16 : index
    %swap3A_435 = tpu.vector_load %arg7[%swap3A_433, %swap3A_434] {strides = array<i32>} : memref<128x104xi32, #tpu.memory_space<vmem>>, vector<16xi32>,
    tpu.vector_store %arg7[%swap3A_433, %swap3A_434], %add3A_431 {strides = array<i32>} : memref<128x104xi32, #tpu.memory_space<vmem>>, vector<16xi32>,
    %add3A_436 = arith.constant 448 : i32
    %add3A_437 = vector.broadcast %add3A_436 : i32 to vector<16xi32>
    %add3A_438 = arith.addi %add3A_437, %iota3A : vector<16xi32>
    %gather3A_439 = tpu.vector_load_idx %arg6[%add3A_438] : memref<13312xi32, #tpu.memory_space<vmem>>[vector<16xi32>], vector<16xi32>,
    %get3A_440 = arith.constant 32 : index
    %get3A_441 = tpu.vector_load %arg9[%get3A_440] {strides = array<i32>} : memref<104xi32, #tpu.memory_space<vmem>>, vector<16xi32>,
    %add3A_442 = arith.addi %gather3A_439, %get3A_441 : vector<16xi32>
    %swap3A_443 = arith.constant 4 : i32
    %swap3A_444 = arith.index_cast %swap3A_443 : i32 to index
    %swap3A_445 = arith.constant 32 : index
    %swap3A_446 = tpu.vector_load %arg7[%swap3A_444, %swap3A_445] {strides = array<i32>} : memref<128x104xi32, #tpu.memory_space<vmem>>, vector<16xi32>,
    tpu.vector_store %arg7[%swap3A_444, %swap3A_445], %add3A_442 {strides = array<i32>} : memref<128x104xi32, #tpu.memory_space<vmem>>, vector<16xi32>,
    %add3A_447 = arith.constant 464 : i32
    %add3A_448 = vector.broadcast %add3A_447 : i32 to vector<16xi32>
    %add3A_449 = arith.addi %add3A_448, %iota3A : vector<16xi32>
    %gather3A_450 = tpu.vector_load_idx %arg6[%add3A_449] : memref<13312xi32, #tpu.memory_space<vmem>>[vector<16xi32>], vector<16xi32>,
    %get3A_451 = arith.constant 48 : index
    %get3A_452 = tpu.vector_load %arg9[%get3A_451] {strides = array<i32>} : memref<104xi32, #tpu.memory_space<vmem>>, vector<16xi32>,
    %add3A_453 = arith.addi %gather3A_450, %get3A_452 : vector<16xi32>
    %swap3A_454 = arith.constant 4 : i32
    %swap3A_455 = arith.index_cast %swap3A_454 : i32 to index
    %swap3A_456 = arith.constant 48 : index
    %swap3A_457 = tpu.vector_load %arg7[%swap3A_455, %swap3A_456] {strides = array<i32>} : memref<128x104xi32, #tpu.memory_space<vmem>>, vector<16xi32>,
    tpu.vector_store %arg7[%swap3A_455, %swap3A_456], %add3A_453 {strides = array<i32>} : memref<128x104xi32, #tpu.memory_space<vmem>>, vector<16xi32>,
    %add3A_458 = arith.constant 480 : i32
    %add3A_459 = vector.broadcast %add3A_458 : i32 to vector<16xi32>
    %add3A_460 = arith.addi %add3A_459, %iota3A : vector<16xi32>
    %gather3A_461 = tpu.vector_load_idx %arg6[%add3A_460] : memref<13312xi32, #tpu.memory_space<vmem>>[vector<16xi32>], vector<16xi32>,
    %get3A_462 = arith.constant 64 : index
    %get3A_463 = tpu.vector_load %arg9[%get3A_462] {strides = array<i32>} : memref<104xi32, #tpu.memory_space<vmem>>, vector<16xi32>,
    %add3A_464 = arith.addi %gather3A_461, %get3A_463 : vector<16xi32>
    %swap3A_465 = arith.constant 4 : i32
    %swap3A_466 = arith.index_cast %swap3A_465 : i32 to index
    %swap3A_467 = arith.constant 64 : index
    %swap3A_468 = tpu.vector_load %arg7[%swap3A_466, %swap3A_467] {strides = array<i32>} : memref<128x104xi32, #tpu.memory_space<vmem>>, vector<16xi32>,
    tpu.vector_store %arg7[%swap3A_466, %swap3A_467], %add3A_464 {strides = array<i32>} : memref<128x104xi32, #tpu.memory_space<vmem>>, vector<16xi32>,
    %add3A_469 = arith.constant 496 : i32
    %add3A_470 = vector.broadcast %add3A_469 : i32 to vector<16xi32>
    %add3A_471 = arith.addi %add3A_470, %iota3A : vector<16xi32>
    %gather3A_472 = tpu.vector_load_idx %arg6[%add3A_471] : memref<13312xi32, #tpu.memory_space<vmem>>[vector<16xi32>], vector<16xi32>,
    %get3A_473 = arith.constant 80 : index
    %get3A_474 = tpu.vector_load %arg9[%get3A_473] {strides = array<i32>} : memref<104xi32, #tpu.memory_space<vmem>>, vector<16xi32>,
    %add3A_475 = arith.addi %gather3A_472, %get3A_474 : vector<16xi32>
    %swap3A_476 = arith.constant 4 : i32
    %swap3A_477 = arith.index_cast %swap3A_476 : i32 to index
    %swap3A_478 = arith.constant 80 : index
    %swap3A_479 = tpu.vector_load %arg7[%swap3A_477, %swap3A_478] {strides = array<i32>} : memref<128x104xi32, #tpu.memory_space<vmem>>, vector<16xi32>,
    tpu.vector_store %arg7[%swap3A_477, %swap3A_478], %add3A_475 {strides = array<i32>} : memref<128x104xi32, #tpu.memory_space<vmem>>, vector<16xi32>,
    %add3A_480 = arith.constant 504 : i32
    %add3A_481 = vector.broadcast %add3A_480 : i32 to vector<16xi32>
    %add3A_482 = arith.addi %add3A_481, %iota3A : vector<16xi32>
    %gather3A_483 = tpu.vector_load_idx %arg6[%add3A_482] : memref<13312xi32, #tpu.memory_space<vmem>>[vector<16xi32>], vector<16xi32>,
    %get3A_484 = arith.constant 88 : index
    %get3A_485 = tpu.vector_load %arg9[%get3A_484] {strides = array<i32>} : memref<104xi32, #tpu.memory_space<vmem>>, vector<16xi32>,
    %add3A_486 = arith.addi %gather3A_483, %get3A_485 : vector<16xi32>
    %swap3A_487 = arith.constant 4 : i32
    %swap3A_488 = arith.index_cast %swap3A_487 : i32 to index
    %swap3A_489 = arith.constant 88 : index
    %swap3A_490 = tpu.vector_load %arg7[%swap3A_488, %swap3A_489] {strides = array<i32>} : memref<128x104xi32, #tpu.memory_space<vmem>>, vector<16xi32>,
    tpu.vector_store %arg7[%swap3A_488, %swap3A_489], %add3A_486 {strides = array<i32>} : memref<128x104xi32, #tpu.memory_space<vmem>>, vector<16xi32>,
    %scan3A = arith.constant 0 : i32
    %scan3A_491 = arith.constant 0 : i32
    %scan3A_492 = arith.constant 128 : i32
    %scan3A_493 = arith.addi %scan3A_491, %scan3A_492 : i32
    %scan3A_494 = arith.constant 1 : i32
    %scan3A_495 = scf.for %scan3A_784 = %scan3A_491 to %scan3A_493 step %scan3A_494 iter_args(%scan3A_785 = %scan3A) -> (i32)  : i32 {
      %rem3A_786 = arith.constant 6 : i32
      %rem3A_787 = arith.remsi %scan3A_784, %rem3A_786 : i32
      %add3A_788 = arith.constant 3 : i32
      %add3A_789 = arith.addi %scan3A_784, %add3A_788 : i32
      %rem3A_790 = arith.constant 6 : i32
      %rem3A_791 = arith.remsi %add3A_789, %rem3A_790 : i32
      %dma_wait3A_792 = arith.constant 0 : i32
      %dma_wait3A_793 = arith.constant 0 : i32
      %dma_wait3A_794 = tpu.memref_slice %arg10[%rem3A_787, %dma_wait3A_792, %dma_wait3A_793] : memref<6x104x128xf32, #tpu.memory_space<vmem>> -> memref<1x104x128xf32, #tpu.memory_space<vmem>>
      %dma_wait3A_795 = tpu.memref_squeeze %dma_wait3A_794 : memref<1x104x128xf32, #tpu.memory_space<vmem>> -> memref<104x128xf32, #tpu.memory_space<vmem>>
      %dma_wait3A_796 = arith.constant 0 : i32
      %dma_wait3A_797 = tpu.memref_slice %arg7[%scan3A_784, %dma_wait3A_796] : memref<128x104xi32, #tpu.memory_space<vmem>> -> memref<1x104xi32, #tpu.memory_space<vmem>>
      %dma_wait3A_798 = tpu.memref_squeeze %dma_wait3A_797 : memref<1x104xi32, #tpu.memory_space<vmem>> -> memref<104xi32, #tpu.memory_space<vmem>>
      %dma_wait3A_799 = arith.constant 0 : i32
      %dma_wait3A_800 = arith.constant 0 : i32
      %dma_wait3A_801 = tpu.memref_slice %arg4[%dma_wait3A_799, %dma_wait3A_800] : memref<26000x128xf32, #tpu.memory_space<hbm>> -> memref<26000x128xf32, #tpu.memory_space<hbm>>
      %dma_wait3A_802 = tpu.memref_slice %arg11[%rem3A_787] : memref<6x!tpu.dma_semaphore, #tpu.memory_space<semaphore_mem>> -> memref<1x!tpu.dma_semaphore, #tpu.memory_space<semaphore_mem>>
      %dma_wait3A_803 = tpu.memref_squeeze %dma_wait3A_802 : memref<1x!tpu.dma_semaphore, #tpu.memory_space<semaphore_mem>> -> memref<!tpu.dma_semaphore, #tpu.memory_space<semaphore_mem>>
      tpu.wait_indirect_dma semaphore(%dma_wait3A_803 : memref<!tpu.dma_semaphore, #tpu.memory_space<semaphore_mem>>) src(%dma_wait3A_801 : memref<26000x128xf32, #tpu.memory_space<hbm>>) dst(%dma_wait3A_795 : memref<104x128xf32, #tpu.memory_space<vmem>>)
      %mul3A_804 = arith.constant 4 : i32
      %mul3A_805 = arith.muli %scan3A_784, %mul3A_804 : i32
      %add3A_806 = arith.addi %mul3A_2, %mul3A_805 : i32
      %add3A_807 = arith.constant 0 : i32
      %add3A_808 = arith.addi %add3A_806, %add3A_807 : i32
      %mul3A_809 = arith.constant 4 : i32
      %mul3A_810 = arith.muli %scan3A_784, %mul3A_809 : i32
      %add3A_811 = arith.addi %mul3A_2, %mul3A_810 : i32
      %add3A_812 = arith.constant 1 : i32
      %add3A_813 = arith.addi %add3A_811, %add3A_812 : i32
      %mul3A_814 = arith.constant 4 : i32
      %mul3A_815 = arith.muli %scan3A_784, %mul3A_814 : i32
      %add3A_816 = arith.addi %mul3A_2, %mul3A_815 : i32
      %add3A_817 = arith.constant 2 : i32
      %add3A_818 = arith.addi %add3A_816, %add3A_817 : i32
      %mul3A_819 = arith.constant 4 : i32
      %mul3A_820 = arith.muli %scan3A_784, %mul3A_819 : i32
      %add3A_821 = arith.addi %mul3A_2, %mul3A_820 : i32
      %add3A_822 = arith.constant 3 : i32
      %add3A_823 = arith.addi %add3A_821, %add3A_822 : i32
      %dma_start3A_824 = arith.constant 0 : i32
      %dma_start3A_825 = arith.constant 0 : i32
      %dma_start3A_826 = tpu.memref_slice %arg10[%rem3A_787, %dma_start3A_824, %dma_start3A_825] : memref<6x104x128xf32, #tpu.memory_space<vmem>> -> memref<1x26x128xf32, #tpu.memory_space<vmem>>
      %dma_start3A_827 = tpu.memref_squeeze %dma_start3A_826 : memref<1x26x128xf32, #tpu.memory_space<vmem>> -> memref<26x128xf32, #tpu.memory_space<vmem>>
      %dma_start3A_828 = arith.constant 0 : i32
      %dma_start3A_829 = arith.constant 0 : i32
      %dma_start3A_830 = tpu.memref_slice %arg5[%add3A_808, %dma_start3A_828, %dma_start3A_829] : memref<16384x26x128xf32, #tpu.memory_space<hbm>> -> memref<1x26x128xf32, #tpu.memory_space<hbm>>
      %dma_start3A_831 = tpu.memref_squeeze %dma_start3A_830 : memref<1x26x128xf32, #tpu.memory_space<hbm>> -> memref<26x128xf32, #tpu.memory_space<hbm>>
      %dma_start3A_832 = tpu.memref_slice %arg12[%rem3A_787] : memref<6x!tpu.dma_semaphore, #tpu.memory_space<semaphore_mem>> -> memref<1x!tpu.dma_semaphore, #tpu.memory_space<semaphore_mem>>
      %dma_start3A_833 = tpu.memref_squeeze %dma_start3A_832 : memref<1x!tpu.dma_semaphore, #tpu.memory_space<semaphore_mem>> -> memref<!tpu.dma_semaphore, #tpu.memory_space<semaphore_mem>>
      %dma_start3A_834 = arith.constant 0 : i32
      %dma_start3A_835 = arith.constant 0 : i32
      %dma_start3A_836 = tpu.memref_slice %arg5[%add3A_808, %dma_start3A_834, %dma_start3A_835] : memref<16384x26x128xf32, #tpu.memory_space<hbm>> -> memref<1x26x128xf32, #tpu.memory_space<hbm>>
      %dma_start3A_837 = tpu.memref_squeeze %dma_start3A_836 : memref<1x26x128xf32, #tpu.memory_space<hbm>> -> memref<26x128xf32, #tpu.memory_space<hbm>>
      %dma_start3A_838 = arith.constant 0 : i32
      %dma_start3A_839 = arith.constant 0 : i32
      %dma_start3A_840 = tpu.memref_slice %arg10[%rem3A_787, %dma_start3A_838, %dma_start3A_839] : memref<6x104x128xf32, #tpu.memory_space<vmem>> -> memref<1x26x128xf32, #tpu.memory_space<vmem>>
      %dma_start3A_841 = tpu.memref_squeeze %dma_start3A_840 : memref<1x26x128xf32, #tpu.memory_space<vmem>> -> memref<26x128xf32, #tpu.memory_space<vmem>>
      tpu.enqueue_dma source(%dma_start3A_841 : memref<26x128xf32, #tpu.memory_space<vmem>>) target(%dma_start3A_837 : memref<26x128xf32, #tpu.memory_space<hbm>>) target_semaphore(%dma_start3A_833 : memref<!tpu.dma_semaphore, #tpu.memory_space<semaphore_mem>>)
      %dma_start3A_842 = arith.constant 26 : i32
      %dma_start3A_843 = arith.constant 0 : i32
      %dma_start3A_844 = tpu.memref_slice %arg10[%rem3A_787, %dma_start3A_842, %dma_start3A_843] : memref<6x104x128xf32, #tpu.memory_space<vmem>> -> memref<1x26x128xf32, #tpu.memory_space<vmem>>
      %dma_start3A_845 = tpu.memref_squeeze %dma_start3A_844 : memref<1x26x128xf32, #tpu.memory_space<vmem>> -> memref<26x128xf32, #tpu.memory_space<vmem>>
      %dma_start3A_846 = arith.constant 0 : i32
      %dma_start3A_847 = arith.constant 0 : i32
      %dma_start3A_848 = tpu.memref_slice %arg5[%add3A_813, %dma_start3A_846, %dma_start3A_847] : memref<16384x26x128xf32, #tpu.memory_space<hbm>> -> memref<1x26x128xf32, #tpu.memory_space<hbm>>
      %dma_start3A_849 = tpu.memref_squeeze %dma_start3A_848 : memref<1x26x128xf32, #tpu.memory_space<hbm>> -> memref<26x128xf32, #tpu.memory_space<hbm>>
      %dma_start3A_850 = tpu.memref_slice %arg12[%rem3A_787] : memref<6x!tpu.dma_semaphore, #tpu.memory_space<semaphore_mem>> -> memref<1x!tpu.dma_semaphore, #tpu.memory_space<semaphore_mem>>
      %dma_start3A_851 = tpu.memref_squeeze %dma_start3A_850 : memref<1x!tpu.dma_semaphore, #tpu.memory_space<semaphore_mem>> -> memref<!tpu.dma_semaphore, #tpu.memory_space<semaphore_mem>>
      %dma_start3A_852 = arith.constant 0 : i32
      %dma_start3A_853 = arith.constant 0 : i32
      %dma_start3A_854 = tpu.memref_slice %arg5[%add3A_813, %dma_start3A_852, %dma_start3A_853] : memref<16384x26x128xf32, #tpu.memory_space<hbm>> -> memref<1x26x128xf32, #tpu.memory_space<hbm>>
      %dma_start3A_855 = tpu.memref_squeeze %dma_start3A_854 : memref<1x26x128xf32, #tpu.memory_space<hbm>> -> memref<26x128xf32, #tpu.memory_space<hbm>>
      %dma_start3A_856 = arith.constant 26 : i32
      %dma_start3A_857 = arith.constant 0 : i32
      %dma_start3A_858 = tpu.memref_slice %arg10[%rem3A_787, %dma_start3A_856, %dma_start3A_857] : memref<6x104x128xf32, #tpu.memory_space<vmem>> -> memref<1x26x128xf32, #tpu.memory_space<vmem>>
      %dma_start3A_859 = tpu.memref_squeeze %dma_start3A_858 : memref<1x26x128xf32, #tpu.memory_space<vmem>> -> memref<26x128xf32, #tpu.memory_space<vmem>>
      tpu.enqueue_dma source(%dma_start3A_859 : memref<26x128xf32, #tpu.memory_space<vmem>>) target(%dma_start3A_855 : memref<26x128xf32, #tpu.memory_space<hbm>>) target_semaphore(%dma_start3A_851 : memref<!tpu.dma_semaphore, #tpu.memory_space<semaphore_mem>>)
      %dma_start3A_860 = arith.constant 52 : i32
      %dma_start3A_861 = arith.constant 0 : i32
      %dma_start3A_862 = tpu.memref_slice %arg10[%rem3A_787, %dma_start3A_860, %dma_start3A_861] : memref<6x104x128xf32, #tpu.memory_space<vmem>> -> memref<1x26x128xf32, #tpu.memory_space<vmem>>
      %dma_start3A_863 = tpu.memref_squeeze %dma_start3A_862 : memref<1x26x128xf32, #tpu.memory_space<vmem>> -> memref<26x128xf32, #tpu.memory_space<vmem>>
      %dma_start3A_864 = arith.constant 0 : i32
      %dma_start3A_865 = arith.constant 0 : i32
      %dma_start3A_866 = tpu.memref_slice %arg5[%add3A_818, %dma_start3A_864, %dma_start3A_865] : memref<16384x26x128xf32, #tpu.memory_space<hbm>> -> memref<1x26x128xf32, #tpu.memory_space<hbm>>
      %dma_start3A_867 = tpu.memref_squeeze %dma_start3A_866 : memref<1x26x128xf32, #tpu.memory_space<hbm>> -> memref<26x128xf32, #tpu.memory_space<hbm>>
      %dma_start3A_868 = tpu.memref_slice %arg12[%rem3A_787] : memref<6x!tpu.dma_semaphore, #tpu.memory_space<semaphore_mem>> -> memref<1x!tpu.dma_semaphore, #tpu.memory_space<semaphore_mem>>
      %dma_start3A_869 = tpu.memref_squeeze %dma_start3A_868 : memref<1x!tpu.dma_semaphore, #tpu.memory_space<semaphore_mem>> -> memref<!tpu.dma_semaphore, #tpu.memory_space<semaphore_mem>>
      %dma_start3A_870 = arith.constant 0 : i32
      %dma_start3A_871 = arith.constant 0 : i32
      %dma_start3A_872 = tpu.memref_slice %arg5[%add3A_818, %dma_start3A_870, %dma_start3A_871] : memref<16384x26x128xf32, #tpu.memory_space<hbm>> -> memref<1x26x128xf32, #tpu.memory_space<hbm>>
      %dma_start3A_873 = tpu.memref_squeeze %dma_start3A_872 : memref<1x26x128xf32, #tpu.memory_space<hbm>> -> memref<26x128xf32, #tpu.memory_space<hbm>>
      %dma_start3A_874 = arith.constant 52 : i32
      %dma_start3A_875 = arith.constant 0 : i32
      %dma_start3A_876 = tpu.memref_slice %arg10[%rem3A_787, %dma_start3A_874, %dma_start3A_875] : memref<6x104x128xf32, #tpu.memory_space<vmem>> -> memref<1x26x128xf32, #tpu.memory_space<vmem>>
      %dma_start3A_877 = tpu.memref_squeeze %dma_start3A_876 : memref<1x26x128xf32, #tpu.memory_space<vmem>> -> memref<26x128xf32, #tpu.memory_space<vmem>>
      tpu.enqueue_dma source(%dma_start3A_877 : memref<26x128xf32, #tpu.memory_space<vmem>>) target(%dma_start3A_873 : memref<26x128xf32, #tpu.memory_space<hbm>>) target_semaphore(%dma_start3A_869 : memref<!tpu.dma_semaphore, #tpu.memory_space<semaphore_mem>>)
      %dma_start3A_878 = arith.constant 78 : i32
      %dma_start3A_879 = arith.constant 0 : i32
      %dma_start3A_880 = tpu.memref_slice %arg10[%rem3A_787, %dma_start3A_878, %dma_start3A_879] : memref<6x104x128xf32, #tpu.memory_space<vmem>> -> memref<1x26x128xf32, #tpu.memory_space<vmem>>
      %dma_start3A_881 = tpu.memref_squeeze %dma_start3A_880 : memref<1x26x128xf32, #tpu.memory_space<vmem>> -> memref<26x128xf32, #tpu.memory_space<vmem>>
      %dma_start3A_882 = arith.constant 0 : i32
      %dma_start3A_883 = arith.constant 0 : i32
      %dma_start3A_884 = tpu.memref_slice %arg5[%add3A_823, %dma_start3A_882, %dma_start3A_883] : memref<16384x26x128xf32, #tpu.memory_space<hbm>> -> memref<1x26x128xf32, #tpu.memory_space<hbm>>
      %dma_start3A_885 = tpu.memref_squeeze %dma_start3A_884 : memref<1x26x128xf32, #tpu.memory_space<hbm>> -> memref<26x128xf32, #tpu.memory_space<hbm>>
      %dma_start3A_886 = tpu.memref_slice %arg12[%rem3A_787] : memref<6x!tpu.dma_semaphore, #tpu.memory_space<semaphore_mem>> -> memref<1x!tpu.dma_semaphore, #tpu.memory_space<semaphore_mem>>
      %dma_start3A_887 = tpu.memref_squeeze %dma_start3A_886 : memref<1x!tpu.dma_semaphore, #tpu.memory_space<semaphore_mem>> -> memref<!tpu.dma_semaphore, #tpu.memory_space<semaphore_mem>>
      %dma_start3A_888 = arith.constant 0 : i32
      %dma_start3A_889 = arith.constant 0 : i32
      %dma_start3A_890 = tpu.memref_slice %arg5[%add3A_823, %dma_start3A_888, %dma_start3A_889] : memref<16384x26x128xf32, #tpu.memory_space<hbm>> -> memref<1x26x128xf32, #tpu.memory_space<hbm>>
      %dma_start3A_891 = tpu.memref_squeeze %dma_start3A_890 : memref<1x26x128xf32, #tpu.memory_space<hbm>> -> memref<26x128xf32, #tpu.memory_space<hbm>>
      %dma_start3A_892 = arith.constant 78 : i32
      %dma_start3A_893 = arith.constant 0 : i32
      %dma_start3A_894 = tpu.memref_slice %arg10[%rem3A_787, %dma_start3A_892, %dma_start3A_893] : memref<6x104x128xf32, #tpu.memory_space<vmem>> -> memref<1x26x128xf32, #tpu.memory_space<vmem>>
      %dma_start3A_895 = tpu.memref_squeeze %dma_start3A_894 : memref<1x26x128xf32, #tpu.memory_space<vmem>> -> memref<26x128xf32, #tpu.memory_space<vmem>>
      tpu.enqueue_dma source(%dma_start3A_895 : memref<26x128xf32, #tpu.memory_space<vmem>>) target(%dma_start3A_891 : memref<26x128xf32, #tpu.memory_space<hbm>>) target_semaphore(%dma_start3A_887 : memref<!tpu.dma_semaphore, #tpu.memory_space<semaphore_mem>>)
      %add3A_896 = arith.constant 3 : i32
      %add3A_897 = arith.addi %scan3A_784, %add3A_896 : i32
      %lt3A = arith.constant 128 : i32
      %lt3A_898 = arith.cmpi slt, %add3A_897, %lt3A : i32
      %convert_element_type3A = arith.extui %lt3A_898 : i1 to i32
      %cond3A = arith.constant 0 : i32
      %cond3A_899 = arith.cmpi ne, %convert_element_type3A, %cond3A : i32
      scf.if %cond3A_899 {
        %add3A_910 = arith.constant 3 : i32
        %add3A_911 = arith.addi %scan3A_784, %add3A_910 : i32
        %ge3A = arith.constant 6 : i32
        %ge3A_912 = arith.cmpi sge, %add3A_911, %ge3A : i32
        %convert_element_type3A_913 = arith.extui %ge3A_912 : i1 to i32
        %cond3A_914 = arith.constant 0 : i32
        %cond3A_915 = arith.cmpi ne, %convert_element_type3A_913, %cond3A_914 : i32
        scf.if %cond3A_915 {
          %add3A_930 = arith.constant 3 : i32
          %add3A_931 = arith.addi %scan3A_784, %add3A_930 : i32
          %sub3A = arith.constant 6 : i32
          %sub3A_932 = arith.subi %add3A_931, %sub3A : i32
          %mul3A_933 = arith.constant 4 : i32
          %mul3A_934 = arith.muli %sub3A_932, %mul3A_933 : i32
          %add3A_935 = arith.addi %mul3A_2, %mul3A_934 : i32
          %add3A_936 = arith.constant 0 : i32
          %add3A_937 = arith.addi %add3A_935, %add3A_936 : i32
          %mul3A_938 = arith.constant 4 : i32
          %mul3A_939 = arith.muli %sub3A_932, %mul3A_938 : i32
          %add3A_940 = arith.addi %mul3A_2, %mul3A_939 : i32
          %add3A_941 = arith.constant 1 : i32
          %add3A_942 = arith.addi %add3A_940, %add3A_941 : i32
          %mul3A_943 = arith.constant 4 : i32
          %mul3A_944 = arith.muli %sub3A_932, %mul3A_943 : i32
          %add3A_945 = arith.addi %mul3A_2, %mul3A_944 : i32
          %add3A_946 = arith.constant 2 : i32
          %add3A_947 = arith.addi %add3A_945, %add3A_946 : i32
          %mul3A_948 = arith.constant 4 : i32
          %mul3A_949 = arith.muli %sub3A_932, %mul3A_948 : i32
          %add3A_950 = arith.addi %mul3A_2, %mul3A_949 : i32
          %add3A_951 = arith.constant 3 : i32
          %add3A_952 = arith.addi %add3A_950, %add3A_951 : i32
          %dma_wait3A_953 = arith.constant 0 : i32
          %dma_wait3A_954 = arith.constant 0 : i32
          %dma_wait3A_955 = tpu.memref_slice %arg10[%rem3A_791, %dma_wait3A_953, %dma_wait3A_954] : memref<6x104x128xf32, #tpu.memory_space<vmem>> -> memref<1x26x128xf32, #tpu.memory_space<vmem>>
          %dma_wait3A_956 = tpu.memref_squeeze %dma_wait3A_955 : memref<1x26x128xf32, #tpu.memory_space<vmem>> -> memref<26x128xf32, #tpu.memory_space<vmem>>
          %dma_wait3A_957 = arith.constant 0 : i32
          %dma_wait3A_958 = arith.constant 0 : i32
          %dma_wait3A_959 = tpu.memref_slice %arg5[%add3A_937, %dma_wait3A_957, %dma_wait3A_958] : memref<16384x26x128xf32, #tpu.memory_space<hbm>> -> memref<1x26x128xf32, #tpu.memory_space<hbm>>
          %dma_wait3A_960 = tpu.memref_squeeze %dma_wait3A_959 : memref<1x26x128xf32, #tpu.memory_space<hbm>> -> memref<26x128xf32, #tpu.memory_space<hbm>>
          %dma_wait3A_961 = tpu.memref_slice %arg12[%rem3A_791] : memref<6x!tpu.dma_semaphore, #tpu.memory_space<semaphore_mem>> -> memref<1x!tpu.dma_semaphore, #tpu.memory_space<semaphore_mem>>
          %dma_wait3A_962 = tpu.memref_squeeze %dma_wait3A_961 : memref<1x!tpu.dma_semaphore, #tpu.memory_space<semaphore_mem>> -> memref<!tpu.dma_semaphore, #tpu.memory_space<semaphore_mem>>
          %dma_wait3A_963 = arith.constant 0 : i32
          %dma_wait3A_964 = arith.constant 0 : i32
          %dma_wait3A_965 = tpu.memref_slice %arg5[%add3A_937, %dma_wait3A_963, %dma_wait3A_964] : memref<16384x26x128xf32, #tpu.memory_space<hbm>> -> memref<1x26x128xf32, #tpu.memory_space<hbm>>
          %dma_wait3A_966 = tpu.memref_squeeze %dma_wait3A_965 : memref<1x26x128xf32, #tpu.memory_space<hbm>> -> memref<26x128xf32, #tpu.memory_space<hbm>>
          %dma_wait3A_967 = arith.constant 0 : i32
          %dma_wait3A_968 = arith.constant 0 : i32
          %dma_wait3A_969 = tpu.memref_slice %arg10[%rem3A_791, %dma_wait3A_967, %dma_wait3A_968] : memref<6x104x128xf32, #tpu.memory_space<vmem>> -> memref<1x26x128xf32, #tpu.memory_space<vmem>>
          %dma_wait3A_970 = tpu.memref_squeeze %dma_wait3A_969 : memref<1x26x128xf32, #tpu.memory_space<vmem>> -> memref<26x128xf32, #tpu.memory_space<vmem>>
          tpu.wait_dma2 semaphore(%dma_wait3A_962 : memref<!tpu.dma_semaphore, #tpu.memory_space<semaphore_mem>>) src(%dma_wait3A_970 : memref<26x128xf32, #tpu.memory_space<vmem>>) dst(%dma_wait3A_966 : memref<26x128xf32, #tpu.memory_space<hbm>>)
          %dma_wait3A_971 = arith.constant 26 : i32
          %dma_wait3A_972 = arith.constant 0 : i32
          %dma_wait3A_973 = tpu.memref_slice %arg10[%rem3A_791, %dma_wait3A_971, %dma_wait3A_972] : memref<6x104x128xf32, #tpu.memory_space<vmem>> -> memref<1x26x128xf32, #tpu.memory_space<vmem>>
          %dma_wait3A_974 = tpu.memref_squeeze %dma_wait3A_973 : memref<1x26x128xf32, #tpu.memory_space<vmem>> -> memref<26x128xf32, #tpu.memory_space<vmem>>
          %dma_wait3A_975 = arith.constant 0 : i32
          %dma_wait3A_976 = arith.constant 0 : i32
          %dma_wait3A_977 = tpu.memref_slice %arg5[%add3A_942, %dma_wait3A_975, %dma_wait3A_976] : memref<16384x26x128xf32, #tpu.memory_space<hbm>> -> memref<1x26x128xf32, #tpu.memory_space<hbm>>
          %dma_wait3A_978 = tpu.memref_squeeze %dma_wait3A_977 : memref<1x26x128xf32, #tpu.memory_space<hbm>> -> memref<26x128xf32, #tpu.memory_space<hbm>>
          %dma_wait3A_979 = tpu.memref_slice %arg12[%rem3A_791] : memref<6x!tpu.dma_semaphore, #tpu.memory_space<semaphore_mem>> -> memref<1x!tpu.dma_semaphore, #tpu.memory_space<semaphore_mem>>
          %dma_wait3A_980 = tpu.memref_squeeze %dma_wait3A_979 : memref<1x!tpu.dma_semaphore, #tpu.memory_space<semaphore_mem>> -> memref<!tpu.dma_semaphore, #tpu.memory_space<semaphore_mem>>
          %dma_wait3A_981 = arith.constant 0 : i32
          %dma_wait3A_982 = arith.constant 0 : i32
          %dma_wait3A_983 = tpu.memref_slice %arg5[%add3A_942, %dma_wait3A_981, %dma_wait3A_982] : memref<16384x26x128xf32, #tpu.memory_space<hbm>> -> memref<1x26x128xf32, #tpu.memory_space<hbm>>
          %dma_wait3A_984 = tpu.memref_squeeze %dma_wait3A_983 : memref<1x26x128xf32, #tpu.memory_space<hbm>> -> memref<26x128xf32, #tpu.memory_space<hbm>>
          %dma_wait3A_985 = arith.constant 26 : i32
          %dma_wait3A_986 = arith.constant 0 : i32
          %dma_wait3A_987 = tpu.memref_slice %arg10[%rem3A_791, %dma_wait3A_985, %dma_wait3A_986] : memref<6x104x128xf32, #tpu.memory_space<vmem>> -> memref<1x26x128xf32, #tpu.memory_space<vmem>>
          %dma_wait3A_988 = tpu.memref_squeeze %dma_wait3A_987 : memref<1x26x128xf32, #tpu.memory_space<vmem>> -> memref<26x128xf32, #tpu.memory_space<vmem>>
          tpu.wait_dma2 semaphore(%dma_wait3A_980 : memref<!tpu.dma_semaphore, #tpu.memory_space<semaphore_mem>>) src(%dma_wait3A_988 : memref<26x128xf32, #tpu.memory_space<vmem>>) dst(%dma_wait3A_984 : memref<26x128xf32, #tpu.memory_space<hbm>>)
          %dma_wait3A_989 = arith.constant 52 : i32
          %dma_wait3A_990 = arith.constant 0 : i32
          %dma_wait3A_991 = tpu.memref_slice %arg10[%rem3A_791, %dma_wait3A_989, %dma_wait3A_990] : memref<6x104x128xf32, #tpu.memory_space<vmem>> -> memref<1x26x128xf32, #tpu.memory_space<vmem>>
          %dma_wait3A_992 = tpu.memref_squeeze %dma_wait3A_991 : memref<1x26x128xf32, #tpu.memory_space<vmem>> -> memref<26x128xf32, #tpu.memory_space<vmem>>
          %dma_wait3A_993 = arith.constant 0 : i32
          %dma_wait3A_994 = arith.constant 0 : i32
          %dma_wait3A_995 = tpu.memref_slice %arg5[%add3A_947, %dma_wait3A_993, %dma_wait3A_994] : memref<16384x26x128xf32, #tpu.memory_space<hbm>> -> memref<1x26x128xf32, #tpu.memory_space<hbm>>
          %dma_wait3A_996 = tpu.memref_squeeze %dma_wait3A_995 : memref<1x26x128xf32, #tpu.memory_space<hbm>> -> memref<26x128xf32, #tpu.memory_space<hbm>>
          %dma_wait3A_997 = tpu.memref_slice %arg12[%rem3A_791] : memref<6x!tpu.dma_semaphore, #tpu.memory_space<semaphore_mem>> -> memref<1x!tpu.dma_semaphore, #tpu.memory_space<semaphore_mem>>
          %dma_wait3A_998 = tpu.memref_squeeze %dma_wait3A_997 : memref<1x!tpu.dma_semaphore, #tpu.memory_space<semaphore_mem>> -> memref<!tpu.dma_semaphore, #tpu.memory_space<semaphore_mem>>
          %dma_wait3A_999 = arith.constant 0 : i32
          %dma_wait3A_1000 = arith.constant 0 : i32
          %dma_wait3A_1001 = tpu.memref_slice %arg5[%add3A_947, %dma_wait3A_999, %dma_wait3A_1000] : memref<16384x26x128xf32, #tpu.memory_space<hbm>> -> memref<1x26x128xf32, #tpu.memory_space<hbm>>
          %dma_wait3A_1002 = tpu.memref_squeeze %dma_wait3A_1001 : memref<1x26x128xf32, #tpu.memory_space<hbm>> -> memref<26x128xf32, #tpu.memory_space<hbm>>
          %dma_wait3A_1003 = arith.constant 52 : i32
          %dma_wait3A_1004 = arith.constant 0 : i32
          %dma_wait3A_1005 = tpu.memref_slice %arg10[%rem3A_791, %dma_wait3A_1003, %dma_wait3A_1004] : memref<6x104x128xf32, #tpu.memory_space<vmem>> -> memref<1x26x128xf32, #tpu.memory_space<vmem>>
          %dma_wait3A_1006 = tpu.memref_squeeze %dma_wait3A_1005 : memref<1x26x128xf32, #tpu.memory_space<vmem>> -> memref<26x128xf32, #tpu.memory_space<vmem>>
          tpu.wait_dma2 semaphore(%dma_wait3A_998 : memref<!tpu.dma_semaphore, #tpu.memory_space<semaphore_mem>>) src(%dma_wait3A_1006 : memref<26x128xf32, #tpu.memory_space<vmem>>) dst(%dma_wait3A_1002 : memref<26x128xf32, #tpu.memory_space<hbm>>)
          %dma_wait3A_1007 = arith.constant 78 : i32
          %dma_wait3A_1008 = arith.constant 0 : i32
          %dma_wait3A_1009 = tpu.memref_slice %arg10[%rem3A_791, %dma_wait3A_1007, %dma_wait3A_1008] : memref<6x104x128xf32, #tpu.memory_space<vmem>> -> memref<1x26x128xf32, #tpu.memory_space<vmem>>
          %dma_wait3A_1010 = tpu.memref_squeeze %dma_wait3A_1009 : memref<1x26x128xf32, #tpu.memory_space<vmem>> -> memref<26x128xf32, #tpu.memory_space<vmem>>
          %dma_wait3A_1011 = arith.constant 0 : i32
          %dma_wait3A_1012 = arith.constant 0 : i32
          %dma_wait3A_1013 = tpu.memref_slice %arg5[%add3A_952, %dma_wait3A_1011, %dma_wait3A_1012] : memref<16384x26x128xf32, #tpu.memory_space<hbm>> -> memref<1x26x128xf32, #tpu.memory_space<hbm>>
          %dma_wait3A_1014 = tpu.memref_squeeze %dma_wait3A_1013 : memref<1x26x128xf32, #tpu.memory_space<hbm>> -> memref<26x128xf32, #tpu.memory_space<hbm>>
          %dma_wait3A_1015 = tpu.memref_slice %arg12[%rem3A_791] : memref<6x!tpu.dma_semaphore, #tpu.memory_space<semaphore_mem>> -> memref<1x!tpu.dma_semaphore, #tpu.memory_space<semaphore_mem>>
          %dma_wait3A_1016 = tpu.memref_squeeze %dma_wait3A_1015 : memref<1x!tpu.dma_semaphore, #tpu.memory_space<semaphore_mem>> -> memref<!tpu.dma_semaphore, #tpu.memory_space<semaphore_mem>>
          %dma_wait3A_1017 = arith.constant 0 : i32
          %dma_wait3A_1018 = arith.constant 0 : i32
          %dma_wait3A_1019 = tpu.memref_slice %arg5[%add3A_952, %dma_wait3A_1017, %dma_wait3A_1018] : memref<16384x26x128xf32, #tpu.memory_space<hbm>> -> memref<1x26x128xf32, #tpu.memory_space<hbm>>
          %dma_wait3A_1020 = tpu.memref_squeeze %dma_wait3A_1019 : memref<1x26x128xf32, #tpu.memory_space<hbm>> -> memref<26x128xf32, #tpu.memory_space<hbm>>
          %dma_wait3A_1021 = arith.constant 78 : i32
          %dma_wait3A_1022 = arith.constant 0 : i32
          %dma_wait3A_1023 = tpu.memref_slice %arg10[%rem3A_791, %dma_wait3A_1021, %dma_wait3A_1022] : memref<6x104x128xf32, #tpu.memory_space<vmem>> -> memref<1x26x128xf32, #tpu.memory_space<vmem>>
          %dma_wait3A_1024 = tpu.memref_squeeze %dma_wait3A_1023 : memref<1x26x128xf32, #tpu.memory_space<vmem>> -> memref<26x128xf32, #tpu.memory_space<vmem>>
          tpu.wait_dma2 semaphore(%dma_wait3A_1016 : memref<!tpu.dma_semaphore, #tpu.memory_space<semaphore_mem>>) src(%dma_wait3A_1024 : memref<26x128xf32, #tpu.memory_space<vmem>>) dst(%dma_wait3A_1020 : memref<26x128xf32, #tpu.memory_space<hbm>>)
        } else {
        }
        %add3A_916 = arith.constant 3 : i32
        %add3A_917 = arith.addi %scan3A_784, %add3A_916 : i32
        %dma_start3A_918 = arith.constant 0 : i32
        %dma_start3A_919 = arith.constant 0 : i32
        %dma_start3A_920 = tpu.memref_slice %arg10[%rem3A_791, %dma_start3A_918, %dma_start3A_919] : memref<6x104x128xf32, #tpu.memory_space<vmem>> -> memref<1x104x128xf32, #tpu.memory_space<vmem>>
        %dma_start3A_921 = tpu.memref_squeeze %dma_start3A_920 : memref<1x104x128xf32, #tpu.memory_space<vmem>> -> memref<104x128xf32, #tpu.memory_space<vmem>>
        %dma_start3A_922 = arith.constant 0 : i32
        %dma_start3A_923 = tpu.memref_slice %arg7[%add3A_917, %dma_start3A_922] : memref<128x104xi32, #tpu.memory_space<vmem>> -> memref<1x104xi32, #tpu.memory_space<vmem>>
        %dma_start3A_924 = tpu.memref_squeeze %dma_start3A_923 : memref<1x104xi32, #tpu.memory_space<vmem>> -> memref<104xi32, #tpu.memory_space<vmem>>
        %dma_start3A_925 = arith.constant 0 : i32
        %dma_start3A_926 = arith.constant 0 : i32
        %dma_start3A_927 = tpu.memref_slice %arg4[%dma_start3A_925, %dma_start3A_926] : memref<26000x128xf32, #tpu.memory_space<hbm>> -> memref<26000x128xf32, #tpu.memory_space<hbm>>
        %dma_start3A_928 = tpu.memref_slice %arg11[%rem3A_791] : memref<6x!tpu.dma_semaphore, #tpu.memory_space<semaphore_mem>> -> memref<1x!tpu.dma_semaphore, #tpu.memory_space<semaphore_mem>>
        %dma_start3A_929 = tpu.memref_squeeze %dma_start3A_928 : memref<1x!tpu.dma_semaphore, #tpu.memory_space<semaphore_mem>> -> memref<!tpu.dma_semaphore, #tpu.memory_space<semaphore_mem>>
        tpu.enqueue_indirect_dma source(%dma_start3A_927 : memref<26000x128xf32, #tpu.memory_space<hbm>>) target(%dma_start3A_921 : memref<104x128xf32, #tpu.memory_space<vmem>>) offsets(%dma_start3A_924 : memref<104xi32, #tpu.memory_space<vmem>>) semaphore(%dma_start3A_929 : memref<!tpu.dma_semaphore, #tpu.memory_space<semaphore_mem>>)
      } else {
      }
      %add3A_900 = arith.constant 3 : i32
      %add3A_901 = arith.addi %scan3A_784, %add3A_900 : i32
      %add3A_902 = arith.constant 2 : i32
      %add3A_903 = arith.addi %add3A_901, %add3A_902 : i32
      %lt3A_904 = arith.constant 128 : i32
      %lt3A_905 = arith.cmpi slt, %add3A_903, %lt3A_904 : i32
      %convert_element_type3A_906 = arith.extui %lt3A_905 : i1 to i32
      %cond3A_907 = arith.constant 0 : i32
      %cond3A_908 = arith.cmpi ne, %convert_element_type3A_906, %cond3A_907 : i32
      scf.if %cond3A_908 {
        %add3A_910 = arith.constant 3 : i32
        %add3A_911 = arith.addi %scan3A_784, %add3A_910 : i32
        %add3A_912 = arith.constant 2 : i32
        %add3A_913 = arith.addi %add3A_911, %add3A_912 : i32
        %mul3A_914 = arith.constant 104 : i32
        %mul3A_915 = arith.muli %add3A_913, %mul3A_914 : i32
        %add3A_916 = arith.constant 0 : i32
        %add3A_917 = arith.addi %mul3A_915, %add3A_916 : i32
        %add3A_918 = vector.broadcast %add3A_917 : i32 to vector<16xi32>
        %add3A_919 = arith.addi %add3A_918, %iota3A : vector<16xi32>
        %gather3A_920 = tpu.vector_load_idx %arg6[%add3A_919] : memref<13312xi32, #tpu.memory_space<vmem>>[vector<16xi32>], vector<16xi32>,
        %get3A_921 = arith.constant 0 : index
        %get3A_922 = tpu.vector_load %arg9[%get3A_921] {strides = array<i32>} : memref<104xi32, #tpu.memory_space<vmem>>, vector<16xi32>,
        %add3A_923 = arith.addi %gather3A_920, %get3A_922 : vector<16xi32>
        %swap3A_924 = arith.index_cast %add3A_913 : i32 to index
        %swap3A_925 = arith.constant 0 : index
        %swap3A_926 = tpu.vector_load %arg7[%swap3A_924, %swap3A_925] {strides = array<i32>} : memref<128x104xi32, #tpu.memory_space<vmem>>, vector<16xi32>,
        tpu.vector_store %arg7[%swap3A_924, %swap3A_925], %add3A_923 {strides = array<i32>} : memref<128x104xi32, #tpu.memory_space<vmem>>, vector<16xi32>,
        %mul3A_927 = arith.constant 104 : i32
        %mul3A_928 = arith.muli %add3A_913, %mul3A_927 : i32
        %add3A_929 = arith.constant 16 : i32
        %add3A_930 = arith.addi %mul3A_928, %add3A_929 : i32
        %add3A_931 = vector.broadcast %add3A_930 : i32 to vector<16xi32>
        %add3A_932 = arith.addi %add3A_931, %iota3A : vector<16xi32>
        %gather3A_933 = tpu.vector_load_idx %arg6[%add3A_932] : memref<13312xi32, #tpu.memory_space<vmem>>[vector<16xi32>], vector<16xi32>,
        %get3A_934 = arith.constant 16 : index
        %get3A_935 = tpu.vector_load %arg9[%get3A_934] {strides = array<i32>} : memref<104xi32, #tpu.memory_space<vmem>>, vector<16xi32>,
        %add3A_936 = arith.addi %gather3A_933, %get3A_935 : vector<16xi32>
        %swap3A_937 = arith.index_cast %add3A_913 : i32 to index
        %swap3A_938 = arith.constant 16 : index
        %swap3A_939 = tpu.vector_load %arg7[%swap3A_937, %swap3A_938] {strides = array<i32>} : memref<128x104xi32, #tpu.memory_space<vmem>>, vector<16xi32>,
        tpu.vector_store %arg7[%swap3A_937, %swap3A_938], %add3A_936 {strides = array<i32>} : memref<128x104xi32, #tpu.memory_space<vmem>>, vector<16xi32>,
        %mul3A_940 = arith.constant 104 : i32
        %mul3A_941 = arith.muli %add3A_913, %mul3A_940 : i32
        %add3A_942 = arith.constant 32 : i32
        %add3A_943 = arith.addi %mul3A_941, %add3A_942 : i32
        %add3A_944 = vector.broadcast %add3A_943 : i32 to vector<16xi32>
        %add3A_945 = arith.addi %add3A_944, %iota3A : vector<16xi32>
        %gather3A_946 = tpu.vector_load_idx %arg6[%add3A_945] : memref<13312xi32, #tpu.memory_space<vmem>>[vector<16xi32>], vector<16xi32>,
        %get3A_947 = arith.constant 32 : index
        %get3A_948 = tpu.vector_load %arg9[%get3A_947] {strides = array<i32>} : memref<104xi32, #tpu.memory_space<vmem>>, vector<16xi32>,
        %add3A_949 = arith.addi %gather3A_946, %get3A_948 : vector<16xi32>
        %swap3A_950 = arith.index_cast %add3A_913 : i32 to index
        %swap3A_951 = arith.constant 32 : index
        %swap3A_952 = tpu.vector_load %arg7[%swap3A_950, %swap3A_951] {strides = array<i32>} : memref<128x104xi32, #tpu.memory_space<vmem>>, vector<16xi32>,
        tpu.vector_store %arg7[%swap3A_950, %swap3A_951], %add3A_949 {strides = array<i32>} : memref<128x104xi32, #tpu.memory_space<vmem>>, vector<16xi32>,
        %mul3A_953 = arith.constant 104 : i32
        %mul3A_954 = arith.muli %add3A_913, %mul3A_953 : i32
        %add3A_955 = arith.constant 48 : i32
        %add3A_956 = arith.addi %mul3A_954, %add3A_955 : i32
        %add3A_957 = vector.broadcast %add3A_956 : i32 to vector<16xi32>
        %add3A_958 = arith.addi %add3A_957, %iota3A : vector<16xi32>
        %gather3A_959 = tpu.vector_load_idx %arg6[%add3A_958] : memref<13312xi32, #tpu.memory_space<vmem>>[vector<16xi32>], vector<16xi32>,
        %get3A_960 = arith.constant 48 : index
        %get3A_961 = tpu.vector_load %arg9[%get3A_960] {strides = array<i32>} : memref<104xi32, #tpu.memory_space<vmem>>, vector<16xi32>,
        %add3A_962 = arith.addi %gather3A_959, %get3A_961 : vector<16xi32>
        %swap3A_963 = arith.index_cast %add3A_913 : i32 to index
        %swap3A_964 = arith.constant 48 : index
        %swap3A_965 = tpu.vector_load %arg7[%swap3A_963, %swap3A_964] {strides = array<i32>} : memref<128x104xi32, #tpu.memory_space<vmem>>, vector<16xi32>,
        tpu.vector_store %arg7[%swap3A_963, %swap3A_964], %add3A_962 {strides = array<i32>} : memref<128x104xi32, #tpu.memory_space<vmem>>, vector<16xi32>,
        %mul3A_966 = arith.constant 104 : i32
        %mul3A_967 = arith.muli %add3A_913, %mul3A_966 : i32
        %add3A_968 = arith.constant 64 : i32
        %add3A_969 = arith.addi %mul3A_967, %add3A_968 : i32
        %add3A_970 = vector.broadcast %add3A_969 : i32 to vector<16xi32>
        %add3A_971 = arith.addi %add3A_970, %iota3A : vector<16xi32>
        %gather3A_972 = tpu.vector_load_idx %arg6[%add3A_971] : memref<13312xi32, #tpu.memory_space<vmem>>[vector<16xi32>], vector<16xi32>,
        %get3A_973 = arith.constant 64 : index
        %get3A_974 = tpu.vector_load %arg9[%get3A_973] {strides = array<i32>} : memref<104xi32, #tpu.memory_space<vmem>>, vector<16xi32>,
        %add3A_975 = arith.addi %gather3A_972, %get3A_974 : vector<16xi32>
        %swap3A_976 = arith.index_cast %add3A_913 : i32 to index
        %swap3A_977 = arith.constant 64 : index
        %swap3A_978 = tpu.vector_load %arg7[%swap3A_976, %swap3A_977] {strides = array<i32>} : memref<128x104xi32, #tpu.memory_space<vmem>>, vector<16xi32>,
        tpu.vector_store %arg7[%swap3A_976, %swap3A_977], %add3A_975 {strides = array<i32>} : memref<128x104xi32, #tpu.memory_space<vmem>>, vector<16xi32>,
        %mul3A_979 = arith.constant 104 : i32
        %mul3A_980 = arith.muli %add3A_913, %mul3A_979 : i32
        %add3A_981 = arith.constant 80 : i32
        %add3A_982 = arith.addi %mul3A_980, %add3A_981 : i32
        %add3A_983 = vector.broadcast %add3A_982 : i32 to vector<16xi32>
        %add3A_984 = arith.addi %add3A_983, %iota3A : vector<16xi32>
        %gather3A_985 = tpu.vector_load_idx %arg6[%add3A_984] : memref<13312xi32, #tpu.memory_space<vmem>>[vector<16xi32>], vector<16xi32>,
        %get3A_986 = arith.constant 80 : index
        %get3A_987 = tpu.vector_load %arg9[%get3A_986] {strides = array<i32>} : memref<104xi32, #tpu.memory_space<vmem>>, vector<16xi32>,
        %add3A_988 = arith.addi %gather3A_985, %get3A_987 : vector<16xi32>
        %swap3A_989 = arith.index_cast %add3A_913 : i32 to index
        %swap3A_990 = arith.constant 80 : index
        %swap3A_991 = tpu.vector_load %arg7[%swap3A_989, %swap3A_990] {strides = array<i32>} : memref<128x104xi32, #tpu.memory_space<vmem>>, vector<16xi32>,
        tpu.vector_store %arg7[%swap3A_989, %swap3A_990], %add3A_988 {strides = array<i32>} : memref<128x104xi32, #tpu.memory_space<vmem>>, vector<16xi32>,
        %mul3A_992 = arith.constant 104 : i32
        %mul3A_993 = arith.muli %add3A_913, %mul3A_992 : i32
        %add3A_994 = arith.constant 88 : i32
        %add3A_995 = arith.addi %mul3A_993, %add3A_994 : i32
        %add3A_996 = vector.broadcast %add3A_995 : i32 to vector<16xi32>
        %add3A_997 = arith.addi %add3A_996, %iota3A : vector<16xi32>
        %gather3A_998 = tpu.vector_load_idx %arg6[%add3A_997] : memref<13312xi32, #tpu.memory_space<vmem>>[vector<16xi32>], vector<16xi32>,
        %get3A_999 = arith.constant 88 : index
        %get3A_1000 = tpu.vector_load %arg9[%get3A_999] {strides = array<i32>} : memref<104xi32, #tpu.memory_space<vmem>>, vector<16xi32>,
        %add3A_1001 = arith.addi %gather3A_998, %get3A_1000 : vector<16xi32>
        %swap3A_1002 = arith.index_cast %add3A_913 : i32 to index
        %swap3A_1003 = arith.constant 88 : index
        %swap3A_1004 = tpu.vector_load %arg7[%swap3A_1002, %swap3A_1003] {strides = array<i32>} : memref<128x104xi32, #tpu.memory_space<vmem>>, vector<16xi32>,
        tpu.vector_store %arg7[%swap3A_1002, %swap3A_1003], %add3A_1001 {strides = array<i32>} : memref<128x104xi32, #tpu.memory_space<vmem>>, vector<16xi32>,
      } else {
      }
      %scan3A_909 = arith.constant 0 : i32
      scf.yield %scan3A_909 : i32
    }
    %scan3A_496 = arith.constant 128 : i32
    %add3A_497 = arith.constant 500 : i32
    %add3A_498 = arith.addi %mul3A_2, %add3A_497 : i32
    %add3A_499 = arith.constant 0 : i32
    %add3A_500 = arith.addi %add3A_498, %add3A_499 : i32
    %add3A_501 = arith.constant 500 : i32
    %add3A_502 = arith.addi %mul3A_2, %add3A_501 : i32
    %add3A_503 = arith.constant 1 : i32
    %add3A_504 = arith.addi %add3A_502, %add3A_503 : i32
    %add3A_505 = arith.constant 500 : i32
    %add3A_506 = arith.addi %mul3A_2, %add3A_505 : i32
    %add3A_507 = arith.constant 2 : i32
    %add3A_508 = arith.addi %add3A_506, %add3A_507 : i32
    %add3A_509 = arith.constant 500 : i32
    %add3A_510 = arith.addi %mul3A_2, %add3A_509 : i32
    %add3A_511 = arith.constant 3 : i32
    %add3A_512 = arith.addi %add3A_510, %add3A_511 : i32
    %dma_wait3A = arith.constant 5 : i32
    %dma_wait3A_513 = arith.constant 5 : i32
    %dma_wait3A_514 = arith.constant 0 : i32
    %dma_wait3A_515 = arith.constant 0 : i32
    %dma_wait3A_516 = tpu.memref_slice %arg10[%dma_wait3A, %dma_wait3A_514, %dma_wait3A_515] : memref<6x104x128xf32, #tpu.memory_space<vmem>> -> memref<1x26x128xf32, #tpu.memory_space<vmem>>
    %dma_wait3A_517 = tpu.memref_squeeze %dma_wait3A_516 : memref<1x26x128xf32, #tpu.memory_space<vmem>> -> memref<26x128xf32, #tpu.memory_space<vmem>>
    %dma_wait3A_518 = arith.constant 0 : i32
    %dma_wait3A_519 = arith.constant 0 : i32
    %dma_wait3A_520 = tpu.memref_slice %arg5[%add3A_500, %dma_wait3A_518, %dma_wait3A_519] : memref<16384x26x128xf32, #tpu.memory_space<hbm>> -> memref<1x26x128xf32, #tpu.memory_space<hbm>>
    %dma_wait3A_521 = tpu.memref_squeeze %dma_wait3A_520 : memref<1x26x128xf32, #tpu.memory_space<hbm>> -> memref<26x128xf32, #tpu.memory_space<hbm>>
    %dma_wait3A_522 = tpu.memref_slice %arg12[%dma_wait3A_513] : memref<6x!tpu.dma_semaphore, #tpu.memory_space<semaphore_mem>> -> memref<1x!tpu.dma_semaphore, #tpu.memory_space<semaphore_mem>>
    %dma_wait3A_523 = tpu.memref_squeeze %dma_wait3A_522 : memref<1x!tpu.dma_semaphore, #tpu.memory_space<semaphore_mem>> -> memref<!tpu.dma_semaphore, #tpu.memory_space<semaphore_mem>>
    %dma_wait3A_524 = arith.constant 0 : i32
    %dma_wait3A_525 = arith.constant 0 : i32
    %dma_wait3A_526 = tpu.memref_slice %arg5[%add3A_500, %dma_wait3A_524, %dma_wait3A_525] : memref<16384x26x128xf32, #tpu.memory_space<hbm>> -> memref<1x26x128xf32, #tpu.memory_space<hbm>>
    %dma_wait3A_527 = tpu.memref_squeeze %dma_wait3A_526 : memref<1x26x128xf32, #tpu.memory_space<hbm>> -> memref<26x128xf32, #tpu.memory_space<hbm>>
    %dma_wait3A_528 = arith.constant 0 : i32
    %dma_wait3A_529 = arith.constant 0 : i32
    %dma_wait3A_530 = tpu.memref_slice %arg10[%dma_wait3A, %dma_wait3A_528, %dma_wait3A_529] : memref<6x104x128xf32, #tpu.memory_space<vmem>> -> memref<1x26x128xf32, #tpu.memory_space<vmem>>
    %dma_wait3A_531 = tpu.memref_squeeze %dma_wait3A_530 : memref<1x26x128xf32, #tpu.memory_space<vmem>> -> memref<26x128xf32, #tpu.memory_space<vmem>>
    tpu.wait_dma2 semaphore(%dma_wait3A_523 : memref<!tpu.dma_semaphore, #tpu.memory_space<semaphore_mem>>) src(%dma_wait3A_531 : memref<26x128xf32, #tpu.memory_space<vmem>>) dst(%dma_wait3A_527 : memref<26x128xf32, #tpu.memory_space<hbm>>)
    %dma_wait3A_532 = arith.constant 5 : i32
    %dma_wait3A_533 = arith.constant 5 : i32
    %dma_wait3A_534 = arith.constant 26 : i32
    %dma_wait3A_535 = arith.constant 0 : i32
    %dma_wait3A_536 = tpu.memref_slice %arg10[%dma_wait3A_532, %dma_wait3A_534, %dma_wait3A_535] : memref<6x104x128xf32, #tpu.memory_space<vmem>> -> memref<1x26x128xf32, #tpu.memory_space<vmem>>
    %dma_wait3A_537 = tpu.memref_squeeze %dma_wait3A_536 : memref<1x26x128xf32, #tpu.memory_space<vmem>> -> memref<26x128xf32, #tpu.memory_space<vmem>>
    %dma_wait3A_538 = arith.constant 0 : i32
    %dma_wait3A_539 = arith.constant 0 : i32
    %dma_wait3A_540 = tpu.memref_slice %arg5[%add3A_504, %dma_wait3A_538, %dma_wait3A_539] : memref<16384x26x128xf32, #tpu.memory_space<hbm>> -> memref<1x26x128xf32, #tpu.memory_space<hbm>>
    %dma_wait3A_541 = tpu.memref_squeeze %dma_wait3A_540 : memref<1x26x128xf32, #tpu.memory_space<hbm>> -> memref<26x128xf32, #tpu.memory_space<hbm>>
    %dma_wait3A_542 = tpu.memref_slice %arg12[%dma_wait3A_533] : memref<6x!tpu.dma_semaphore, #tpu.memory_space<semaphore_mem>> -> memref<1x!tpu.dma_semaphore, #tpu.memory_space<semaphore_mem>>
    %dma_wait3A_543 = tpu.memref_squeeze %dma_wait3A_542 : memref<1x!tpu.dma_semaphore, #tpu.memory_space<semaphore_mem>> -> memref<!tpu.dma_semaphore, #tpu.memory_space<semaphore_mem>>
    %dma_wait3A_544 = arith.constant 0 : i32
    %dma_wait3A_545 = arith.constant 0 : i32
    %dma_wait3A_546 = tpu.memref_slice %arg5[%add3A_504, %dma_wait3A_544, %dma_wait3A_545] : memref<16384x26x128xf32, #tpu.memory_space<hbm>> -> memref<1x26x128xf32, #tpu.memory_space<hbm>>
    %dma_wait3A_547 = tpu.memref_squeeze %dma_wait3A_546 : memref<1x26x128xf32, #tpu.memory_space<hbm>> -> memref<26x128xf32, #tpu.memory_space<hbm>>
    %dma_wait3A_548 = arith.constant 26 : i32
    %dma_wait3A_549 = arith.constant 0 : i32
    %dma_wait3A_550 = tpu.memref_slice %arg10[%dma_wait3A_532, %dma_wait3A_548, %dma_wait3A_549] : memref<6x104x128xf32, #tpu.memory_space<vmem>> -> memref<1x26x128xf32, #tpu.memory_space<vmem>>
    %dma_wait3A_551 = tpu.memref_squeeze %dma_wait3A_550 : memref<1x26x128xf32, #tpu.memory_space<vmem>> -> memref<26x128xf32, #tpu.memory_space<vmem>>
    tpu.wait_dma2 semaphore(%dma_wait3A_543 : memref<!tpu.dma_semaphore, #tpu.memory_space<semaphore_mem>>) src(%dma_wait3A_551 : memref<26x128xf32, #tpu.memory_space<vmem>>) dst(%dma_wait3A_547 : memref<26x128xf32, #tpu.memory_space<hbm>>)
    %dma_wait3A_552 = arith.constant 5 : i32
    %dma_wait3A_553 = arith.constant 5 : i32
    %dma_wait3A_554 = arith.constant 52 : i32
    %dma_wait3A_555 = arith.constant 0 : i32
    %dma_wait3A_556 = tpu.memref_slice %arg10[%dma_wait3A_552, %dma_wait3A_554, %dma_wait3A_555] : memref<6x104x128xf32, #tpu.memory_space<vmem>> -> memref<1x26x128xf32, #tpu.memory_space<vmem>>
    %dma_wait3A_557 = tpu.memref_squeeze %dma_wait3A_556 : memref<1x26x128xf32, #tpu.memory_space<vmem>> -> memref<26x128xf32, #tpu.memory_space<vmem>>
    %dma_wait3A_558 = arith.constant 0 : i32
    %dma_wait3A_559 = arith.constant 0 : i32
    %dma_wait3A_560 = tpu.memref_slice %arg5[%add3A_508, %dma_wait3A_558, %dma_wait3A_559] : memref<16384x26x128xf32, #tpu.memory_space<hbm>> -> memref<1x26x128xf32, #tpu.memory_space<hbm>>
    %dma_wait3A_561 = tpu.memref_squeeze %dma_wait3A_560 : memref<1x26x128xf32, #tpu.memory_space<hbm>> -> memref<26x128xf32, #tpu.memory_space<hbm>>
    %dma_wait3A_562 = tpu.memref_slice %arg12[%dma_wait3A_553] : memref<6x!tpu.dma_semaphore, #tpu.memory_space<semaphore_mem>> -> memref<1x!tpu.dma_semaphore, #tpu.memory_space<semaphore_mem>>
    %dma_wait3A_563 = tpu.memref_squeeze %dma_wait3A_562 : memref<1x!tpu.dma_semaphore, #tpu.memory_space<semaphore_mem>> -> memref<!tpu.dma_semaphore, #tpu.memory_space<semaphore_mem>>
    %dma_wait3A_564 = arith.constant 0 : i32
    %dma_wait3A_565 = arith.constant 0 : i32
    %dma_wait3A_566 = tpu.memref_slice %arg5[%add3A_508, %dma_wait3A_564, %dma_wait3A_565] : memref<16384x26x128xf32, #tpu.memory_space<hbm>> -> memref<1x26x128xf32, #tpu.memory_space<hbm>>
    %dma_wait3A_567 = tpu.memref_squeeze %dma_wait3A_566 : memref<1x26x128xf32, #tpu.memory_space<hbm>> -> memref<26x128xf32, #tpu.memory_space<hbm>>
    %dma_wait3A_568 = arith.constant 52 : i32
    %dma_wait3A_569 = arith.constant 0 : i32
    %dma_wait3A_570 = tpu.memref_slice %arg10[%dma_wait3A_552, %dma_wait3A_568, %dma_wait3A_569] : memref<6x104x128xf32, #tpu.memory_space<vmem>> -> memref<1x26x128xf32, #tpu.memory_space<vmem>>
    %dma_wait3A_571 = tpu.memref_squeeze %dma_wait3A_570 : memref<1x26x128xf32, #tpu.memory_space<vmem>> -> memref<26x128xf32, #tpu.memory_space<vmem>>
    tpu.wait_dma2 semaphore(%dma_wait3A_563 : memref<!tpu.dma_semaphore, #tpu.memory_space<semaphore_mem>>) src(%dma_wait3A_571 : memref<26x128xf32, #tpu.memory_space<vmem>>) dst(%dma_wait3A_567 : memref<26x128xf32, #tpu.memory_space<hbm>>)
    %dma_wait3A_572 = arith.constant 5 : i32
    %dma_wait3A_573 = arith.constant 5 : i32
    %dma_wait3A_574 = arith.constant 78 : i32
    %dma_wait3A_575 = arith.constant 0 : i32
    %dma_wait3A_576 = tpu.memref_slice %arg10[%dma_wait3A_572, %dma_wait3A_574, %dma_wait3A_575] : memref<6x104x128xf32, #tpu.memory_space<vmem>> -> memref<1x26x128xf32, #tpu.memory_space<vmem>>
    %dma_wait3A_577 = tpu.memref_squeeze %dma_wait3A_576 : memref<1x26x128xf32, #tpu.memory_space<vmem>> -> memref<26x128xf32, #tpu.memory_space<vmem>>
    %dma_wait3A_578 = arith.constant 0 : i32
    %dma_wait3A_579 = arith.constant 0 : i32
    %dma_wait3A_580 = tpu.memref_slice %arg5[%add3A_512, %dma_wait3A_578, %dma_wait3A_579] : memref<16384x26x128xf32, #tpu.memory_space<hbm>> -> memref<1x26x128xf32, #tpu.memory_space<hbm>>
    %dma_wait3A_581 = tpu.memref_squeeze %dma_wait3A_580 : memref<1x26x128xf32, #tpu.memory_space<hbm>> -> memref<26x128xf32, #tpu.memory_space<hbm>>
    %dma_wait3A_582 = tpu.memref_slice %arg12[%dma_wait3A_573] : memref<6x!tpu.dma_semaphore, #tpu.memory_space<semaphore_mem>> -> memref<1x!tpu.dma_semaphore, #tpu.memory_space<semaphore_mem>>
    %dma_wait3A_583 = tpu.memref_squeeze %dma_wait3A_582 : memref<1x!tpu.dma_semaphore, #tpu.memory_space<semaphore_mem>> -> memref<!tpu.dma_semaphore, #tpu.memory_space<semaphore_mem>>
    %dma_wait3A_584 = arith.constant 0 : i32
    %dma_wait3A_585 = arith.constant 0 : i32
    %dma_wait3A_586 = tpu.memref_slice %arg5[%add3A_512, %dma_wait3A_584, %dma_wait3A_585] : memref<16384x26x128xf32, #tpu.memory_space<hbm>> -> memref<1x26x128xf32, #tpu.memory_space<hbm>>
    %dma_wait3A_587 = tpu.memref_squeeze %dma_wait3A_586 : memref<1x26x128xf32, #tpu.memory_space<hbm>> -> memref<26x128xf32, #tpu.memory_space<hbm>>
    %dma_wait3A_588 = arith.constant 78 : i32
    %dma_wait3A_589 = arith.constant 0 : i32
    %dma_wait3A_590 = tpu.memref_slice %arg10[%dma_wait3A_572, %dma_wait3A_588, %dma_wait3A_589] : memref<6x104x128xf32, #tpu.memory_space<vmem>> -> memref<1x26x128xf32, #tpu.memory_space<vmem>>
    %dma_wait3A_591 = tpu.memref_squeeze %dma_wait3A_590 : memref<1x26x128xf32, #tpu.memory_space<vmem>> -> memref<26x128xf32, #tpu.memory_space<vmem>>
    tpu.wait_dma2 semaphore(%dma_wait3A_583 : memref<!tpu.dma_semaphore, #tpu.memory_space<semaphore_mem>>) src(%dma_wait3A_591 : memref<26x128xf32, #tpu.memory_space<vmem>>) dst(%dma_wait3A_587 : memref<26x128xf32, #tpu.memory_space<hbm>>)
    %add3A_592 = arith.constant 504 : i32
    %add3A_593 = arith.addi %mul3A_2, %add3A_592 : i32
    %add3A_594 = arith.constant 0 : i32
    %add3A_595 = arith.addi %add3A_593, %add3A_594 : i32
    %add3A_596 = arith.constant 504 : i32
    %add3A_597 = arith.addi %mul3A_2, %add3A_596 : i32
    %add3A_598 = arith.constant 1 : i32
    %add3A_599 = arith.addi %add3A_597, %add3A_598 : i32
    %add3A_600 = arith.constant 504 : i32
    %add3A_601 = arith.addi %mul3A_2, %add3A_600 : i32
    %add3A_602 = arith.constant 2 : i32
    %add3A_603 = arith.addi %add3A_601, %add3A_602 : i32
    %add3A_604 = arith.constant 504 : i32
    %add3A_605 = arith.addi %mul3A_2, %add3A_604 : i32
    %add3A_606 = arith.constant 3 : i32
    %add3A_607 = arith.addi %add3A_605, %add3A_606 : i32
    %dma_wait3A_608 = arith.constant 0 : i32
    %dma_wait3A_609 = arith.constant 0 : i32
    %dma_wait3A_610 = arith.constant 0 : i32
    %dma_wait3A_611 = arith.constant 0 : i32
    %dma_wait3A_612 = tpu.memref_slice %arg10[%dma_wait3A_608, %dma_wait3A_610, %dma_wait3A_611] : memref<6x104x128xf32, #tpu.memory_space<vmem>> -> memref<1x26x128xf32, #tpu.memory_space<vmem>>
    %dma_wait3A_613 = tpu.memref_squeeze %dma_wait3A_612 : memref<1x26x128xf32, #tpu.memory_space<vmem>> -> memref<26x128xf32, #tpu.memory_space<vmem>>
    %dma_wait3A_614 = arith.constant 0 : i32
    %dma_wait3A_615 = arith.constant 0 : i32
    %dma_wait3A_616 = tpu.memref_slice %arg5[%add3A_595, %dma_wait3A_614, %dma_wait3A_615] : memref<16384x26x128xf32, #tpu.memory_space<hbm>> -> memref<1x26x128xf32, #tpu.memory_space<hbm>>
    %dma_wait3A_617 = tpu.memref_squeeze %dma_wait3A_616 : memref<1x26x128xf32, #tpu.memory_space<hbm>> -> memref<26x128xf32, #tpu.memory_space<hbm>>
    %dma_wait3A_618 = tpu.memref_slice %arg12[%dma_wait3A_609] : memref<6x!tpu.dma_semaphore, #tpu.memory_space<semaphore_mem>> -> memref<1x!tpu.dma_semaphore, #tpu.memory_space<semaphore_mem>>
    %dma_wait3A_619 = tpu.memref_squeeze %dma_wait3A_618 : memref<1x!tpu.dma_semaphore, #tpu.memory_space<semaphore_mem>> -> memref<!tpu.dma_semaphore, #tpu.memory_space<semaphore_mem>>
    %dma_wait3A_620 = arith.constant 0 : i32
    %dma_wait3A_621 = arith.constant 0 : i32
    %dma_wait3A_622 = tpu.memref_slice %arg5[%add3A_595, %dma_wait3A_620, %dma_wait3A_621] : memref<16384x26x128xf32, #tpu.memory_space<hbm>> -> memref<1x26x128xf32, #tpu.memory_space<hbm>>
    %dma_wait3A_623 = tpu.memref_squeeze %dma_wait3A_622 : memref<1x26x128xf32, #tpu.memory_space<hbm>> -> memref<26x128xf32, #tpu.memory_space<hbm>>
    %dma_wait3A_624 = arith.constant 0 : i32
    %dma_wait3A_625 = arith.constant 0 : i32
    %dma_wait3A_626 = tpu.memref_slice %arg10[%dma_wait3A_608, %dma_wait3A_624, %dma_wait3A_625] : memref<6x104x128xf32, #tpu.memory_space<vmem>> -> memref<1x26x128xf32, #tpu.memory_space<vmem>>
    %dma_wait3A_627 = tpu.memref_squeeze %dma_wait3A_626 : memref<1x26x128xf32, #tpu.memory_space<vmem>> -> memref<26x128xf32, #tpu.memory_space<vmem>>
    tpu.wait_dma2 semaphore(%dma_wait3A_619 : memref<!tpu.dma_semaphore, #tpu.memory_space<semaphore_mem>>) src(%dma_wait3A_627 : memref<26x128xf32, #tpu.memory_space<vmem>>) dst(%dma_wait3A_623 : memref<26x128xf32, #tpu.memory_space<hbm>>)
    %dma_wait3A_628 = arith.constant 0 : i32
    %dma_wait3A_629 = arith.constant 0 : i32
    %dma_wait3A_630 = arith.constant 26 : i32
    %dma_wait3A_631 = arith.constant 0 : i32
    %dma_wait3A_632 = tpu.memref_slice %arg10[%dma_wait3A_628, %dma_wait3A_630, %dma_wait3A_631] : memref<6x104x128xf32, #tpu.memory_space<vmem>> -> memref<1x26x128xf32, #tpu.memory_space<vmem>>
    %dma_wait3A_633 = tpu.memref_squeeze %dma_wait3A_632 : memref<1x26x128xf32, #tpu.memory_space<vmem>> -> memref<26x128xf32, #tpu.memory_space<vmem>>
    %dma_wait3A_634 = arith.constant 0 : i32
    %dma_wait3A_635 = arith.constant 0 : i32
    %dma_wait3A_636 = tpu.memref_slice %arg5[%add3A_599, %dma_wait3A_634, %dma_wait3A_635] : memref<16384x26x128xf32, #tpu.memory_space<hbm>> -> memref<1x26x128xf32, #tpu.memory_space<hbm>>
    %dma_wait3A_637 = tpu.memref_squeeze %dma_wait3A_636 : memref<1x26x128xf32, #tpu.memory_space<hbm>> -> memref<26x128xf32, #tpu.memory_space<hbm>>
    %dma_wait3A_638 = tpu.memref_slice %arg12[%dma_wait3A_629] : memref<6x!tpu.dma_semaphore, #tpu.memory_space<semaphore_mem>> -> memref<1x!tpu.dma_semaphore, #tpu.memory_space<semaphore_mem>>
    %dma_wait3A_639 = tpu.memref_squeeze %dma_wait3A_638 : memref<1x!tpu.dma_semaphore, #tpu.memory_space<semaphore_mem>> -> memref<!tpu.dma_semaphore, #tpu.memory_space<semaphore_mem>>
    %dma_wait3A_640 = arith.constant 0 : i32
    %dma_wait3A_641 = arith.constant 0 : i32
    %dma_wait3A_642 = tpu.memref_slice %arg5[%add3A_599, %dma_wait3A_640, %dma_wait3A_641] : memref<16384x26x128xf32, #tpu.memory_space<hbm>> -> memref<1x26x128xf32, #tpu.memory_space<hbm>>
    %dma_wait3A_643 = tpu.memref_squeeze %dma_wait3A_642 : memref<1x26x128xf32, #tpu.memory_space<hbm>> -> memref<26x128xf32, #tpu.memory_space<hbm>>
    %dma_wait3A_644 = arith.constant 26 : i32
    %dma_wait3A_645 = arith.constant 0 : i32
    %dma_wait3A_646 = tpu.memref_slice %arg10[%dma_wait3A_628, %dma_wait3A_644, %dma_wait3A_645] : memref<6x104x128xf32, #tpu.memory_space<vmem>> -> memref<1x26x128xf32, #tpu.memory_space<vmem>>
    %dma_wait3A_647 = tpu.memref_squeeze %dma_wait3A_646 : memref<1x26x128xf32, #tpu.memory_space<vmem>> -> memref<26x128xf32, #tpu.memory_space<vmem>>
    tpu.wait_dma2 semaphore(%dma_wait3A_639 : memref<!tpu.dma_semaphore, #tpu.memory_space<semaphore_mem>>) src(%dma_wait3A_647 : memref<26x128xf32, #tpu.memory_space<vmem>>) dst(%dma_wait3A_643 : memref<26x128xf32, #tpu.memory_space<hbm>>)
    %dma_wait3A_648 = arith.constant 0 : i32
    %dma_wait3A_649 = arith.constant 0 : i32
    %dma_wait3A_650 = arith.constant 52 : i32
    %dma_wait3A_651 = arith.constant 0 : i32
    %dma_wait3A_652 = tpu.memref_slice %arg10[%dma_wait3A_648, %dma_wait3A_650, %dma_wait3A_651] : memref<6x104x128xf32, #tpu.memory_space<vmem>> -> memref<1x26x128xf32, #tpu.memory_space<vmem>>
    %dma_wait3A_653 = tpu.memref_squeeze %dma_wait3A_652 : memref<1x26x128xf32, #tpu.memory_space<vmem>> -> memref<26x128xf32, #tpu.memory_space<vmem>>
    %dma_wait3A_654 = arith.constant 0 : i32
    %dma_wait3A_655 = arith.constant 0 : i32
    %dma_wait3A_656 = tpu.memref_slice %arg5[%add3A_603, %dma_wait3A_654, %dma_wait3A_655] : memref<16384x26x128xf32, #tpu.memory_space<hbm>> -> memref<1x26x128xf32, #tpu.memory_space<hbm>>
    %dma_wait3A_657 = tpu.memref_squeeze %dma_wait3A_656 : memref<1x26x128xf32, #tpu.memory_space<hbm>> -> memref<26x128xf32, #tpu.memory_space<hbm>>
    %dma_wait3A_658 = tpu.memref_slice %arg12[%dma_wait3A_649] : memref<6x!tpu.dma_semaphore, #tpu.memory_space<semaphore_mem>> -> memref<1x!tpu.dma_semaphore, #tpu.memory_space<semaphore_mem>>
    %dma_wait3A_659 = tpu.memref_squeeze %dma_wait3A_658 : memref<1x!tpu.dma_semaphore, #tpu.memory_space<semaphore_mem>> -> memref<!tpu.dma_semaphore, #tpu.memory_space<semaphore_mem>>
    %dma_wait3A_660 = arith.constant 0 : i32
    %dma_wait3A_661 = arith.constant 0 : i32
    %dma_wait3A_662 = tpu.memref_slice %arg5[%add3A_603, %dma_wait3A_660, %dma_wait3A_661] : memref<16384x26x128xf32, #tpu.memory_space<hbm>> -> memref<1x26x128xf32, #tpu.memory_space<hbm>>
    %dma_wait3A_663 = tpu.memref_squeeze %dma_wait3A_662 : memref<1x26x128xf32, #tpu.memory_space<hbm>> -> memref<26x128xf32, #tpu.memory_space<hbm>>
    %dma_wait3A_664 = arith.constant 52 : i32
    %dma_wait3A_665 = arith.constant 0 : i32
    %dma_wait3A_666 = tpu.memref_slice %arg10[%dma_wait3A_648, %dma_wait3A_664, %dma_wait3A_665] : memref<6x104x128xf32, #tpu.memory_space<vmem>> -> memref<1x26x128xf32, #tpu.memory_space<vmem>>
    %dma_wait3A_667 = tpu.memref_squeeze %dma_wait3A_666 : memref<1x26x128xf32, #tpu.memory_space<vmem>> -> memref<26x128xf32, #tpu.memory_space<vmem>>
    tpu.wait_dma2 semaphore(%dma_wait3A_659 : memref<!tpu.dma_semaphore, #tpu.memory_space<semaphore_mem>>) src(%dma_wait3A_667 : memref<26x128xf32, #tpu.memory_space<vmem>>) dst(%dma_wait3A_663 : memref<26x128xf32, #tpu.memory_space<hbm>>)
    %dma_wait3A_668 = arith.constant 0 : i32
    %dma_wait3A_669 = arith.constant 0 : i32
    %dma_wait3A_670 = arith.constant 78 : i32
    %dma_wait3A_671 = arith.constant 0 : i32
    %dma_wait3A_672 = tpu.memref_slice %arg10[%dma_wait3A_668, %dma_wait3A_670, %dma_wait3A_671] : memref<6x104x128xf32, #tpu.memory_space<vmem>> -> memref<1x26x128xf32, #tpu.memory_space<vmem>>
    %dma_wait3A_673 = tpu.memref_squeeze %dma_wait3A_672 : memref<1x26x128xf32, #tpu.memory_space<vmem>> -> memref<26x128xf32, #tpu.memory_space<vmem>>
    %dma_wait3A_674 = arith.constant 0 : i32
    %dma_wait3A_675 = arith.constant 0 : i32
    %dma_wait3A_676 = tpu.memref_slice %arg5[%add3A_607, %dma_wait3A_674, %dma_wait3A_675] : memref<16384x26x128xf32, #tpu.memory_space<hbm>> -> memref<1x26x128xf32, #tpu.memory_space<hbm>>
    %dma_wait3A_677 = tpu.memref_squeeze %dma_wait3A_676 : memref<1x26x128xf32, #tpu.memory_space<hbm>> -> memref<26x128xf32, #tpu.memory_space<hbm>>
    %dma_wait3A_678 = tpu.memref_slice %arg12[%dma_wait3A_669] : memref<6x!tpu.dma_semaphore, #tpu.memory_space<semaphore_mem>> -> memref<1x!tpu.dma_semaphore, #tpu.memory_space<semaphore_mem>>
    %dma_wait3A_679 = tpu.memref_squeeze %dma_wait3A_678 : memref<1x!tpu.dma_semaphore, #tpu.memory_space<semaphore_mem>> -> memref<!tpu.dma_semaphore, #tpu.memory_space<semaphore_mem>>
    %dma_wait3A_680 = arith.constant 0 : i32
    %dma_wait3A_681 = arith.constant 0 : i32
    %dma_wait3A_682 = tpu.memref_slice %arg5[%add3A_607, %dma_wait3A_680, %dma_wait3A_681] : memref<16384x26x128xf32, #tpu.memory_space<hbm>> -> memref<1x26x128xf32, #tpu.memory_space<hbm>>
    %dma_wait3A_683 = tpu.memref_squeeze %dma_wait3A_682 : memref<1x26x128xf32, #tpu.memory_space<hbm>> -> memref<26x128xf32, #tpu.memory_space<hbm>>
    %dma_wait3A_684 = arith.constant 78 : i32
    %dma_wait3A_685 = arith.constant 0 : i32
    %dma_wait3A_686 = tpu.memref_slice %arg10[%dma_wait3A_668, %dma_wait3A_684, %dma_wait3A_685] : memref<6x104x128xf32, #tpu.memory_space<vmem>> -> memref<1x26x128xf32, #tpu.memory_space<vmem>>
    %dma_wait3A_687 = tpu.memref_squeeze %dma_wait3A_686 : memref<1x26x128xf32, #tpu.memory_space<vmem>> -> memref<26x128xf32, #tpu.memory_space<vmem>>
    tpu.wait_dma2 semaphore(%dma_wait3A_679 : memref<!tpu.dma_semaphore, #tpu.memory_space<semaphore_mem>>) src(%dma_wait3A_687 : memref<26x128xf32, #tpu.memory_space<vmem>>) dst(%dma_wait3A_683 : memref<26x128xf32, #tpu.memory_space<hbm>>)
    %add3A_688 = arith.constant 508 : i32
    %add3A_689 = arith.addi %mul3A_2, %add3A_688 : i32
    %add3A_690 = arith.constant 0 : i32
    %add3A_691 = arith.addi %add3A_689, %add3A_690 : i32
    %add3A_692 = arith.constant 508 : i32
    %add3A_693 = arith.addi %mul3A_2, %add3A_692 : i32
    %add3A_694 = arith.constant 1 : i32
    %add3A_695 = arith.addi %add3A_693, %add3A_694 : i32
    %add3A_696 = arith.constant 508 : i32
    %add3A_697 = arith.addi %mul3A_2, %add3A_696 : i32
    %add3A_698 = arith.constant 2 : i32
    %add3A_699 = arith.addi %add3A_697, %add3A_698 : i32
    %add3A_700 = arith.constant 508 : i32
    %add3A_701 = arith.addi %mul3A_2, %add3A_700 : i32
    %add3A_702 = arith.constant 3 : i32
    %add3A_703 = arith.addi %add3A_701, %add3A_702 : i32
    %dma_wait3A_704 = arith.constant 1 : i32
    %dma_wait3A_705 = arith.constant 1 : i32
    %dma_wait3A_706 = arith.constant 0 : i32
    %dma_wait3A_707 = arith.constant 0 : i32
    %dma_wait3A_708 = tpu.memref_slice %arg10[%dma_wait3A_704, %dma_wait3A_706, %dma_wait3A_707] : memref<6x104x128xf32, #tpu.memory_space<vmem>> -> memref<1x26x128xf32, #tpu.memory_space<vmem>>
    %dma_wait3A_709 = tpu.memref_squeeze %dma_wait3A_708 : memref<1x26x128xf32, #tpu.memory_space<vmem>> -> memref<26x128xf32, #tpu.memory_space<vmem>>
    %dma_wait3A_710 = arith.constant 0 : i32
    %dma_wait3A_711 = arith.constant 0 : i32
    %dma_wait3A_712 = tpu.memref_slice %arg5[%add3A_691, %dma_wait3A_710, %dma_wait3A_711] : memref<16384x26x128xf32, #tpu.memory_space<hbm>> -> memref<1x26x128xf32, #tpu.memory_space<hbm>>
    %dma_wait3A_713 = tpu.memref_squeeze %dma_wait3A_712 : memref<1x26x128xf32, #tpu.memory_space<hbm>> -> memref<26x128xf32, #tpu.memory_space<hbm>>
    %dma_wait3A_714 = tpu.memref_slice %arg12[%dma_wait3A_705] : memref<6x!tpu.dma_semaphore, #tpu.memory_space<semaphore_mem>> -> memref<1x!tpu.dma_semaphore, #tpu.memory_space<semaphore_mem>>
    %dma_wait3A_715 = tpu.memref_squeeze %dma_wait3A_714 : memref<1x!tpu.dma_semaphore, #tpu.memory_space<semaphore_mem>> -> memref<!tpu.dma_semaphore, #tpu.memory_space<semaphore_mem>>
    %dma_wait3A_716 = arith.constant 0 : i32
    %dma_wait3A_717 = arith.constant 0 : i32
    %dma_wait3A_718 = tpu.memref_slice %arg5[%add3A_691, %dma_wait3A_716, %dma_wait3A_717] : memref<16384x26x128xf32, #tpu.memory_space<hbm>> -> memref<1x26x128xf32, #tpu.memory_space<hbm>>
    %dma_wait3A_719 = tpu.memref_squeeze %dma_wait3A_718 : memref<1x26x128xf32, #tpu.memory_space<hbm>> -> memref<26x128xf32, #tpu.memory_space<hbm>>
    %dma_wait3A_720 = arith.constant 0 : i32
    %dma_wait3A_721 = arith.constant 0 : i32
    %dma_wait3A_722 = tpu.memref_slice %arg10[%dma_wait3A_704, %dma_wait3A_720, %dma_wait3A_721] : memref<6x104x128xf32, #tpu.memory_space<vmem>> -> memref<1x26x128xf32, #tpu.memory_space<vmem>>
    %dma_wait3A_723 = tpu.memref_squeeze %dma_wait3A_722 : memref<1x26x128xf32, #tpu.memory_space<vmem>> -> memref<26x128xf32, #tpu.memory_space<vmem>>
    tpu.wait_dma2 semaphore(%dma_wait3A_715 : memref<!tpu.dma_semaphore, #tpu.memory_space<semaphore_mem>>) src(%dma_wait3A_723 : memref<26x128xf32, #tpu.memory_space<vmem>>) dst(%dma_wait3A_719 : memref<26x128xf32, #tpu.memory_space<hbm>>)
    %dma_wait3A_724 = arith.constant 1 : i32
    %dma_wait3A_725 = arith.constant 1 : i32
    %dma_wait3A_726 = arith.constant 26 : i32
    %dma_wait3A_727 = arith.constant 0 : i32
    %dma_wait3A_728 = tpu.memref_slice %arg10[%dma_wait3A_724, %dma_wait3A_726, %dma_wait3A_727] : memref<6x104x128xf32, #tpu.memory_space<vmem>> -> memref<1x26x128xf32, #tpu.memory_space<vmem>>
    %dma_wait3A_729 = tpu.memref_squeeze %dma_wait3A_728 : memref<1x26x128xf32, #tpu.memory_space<vmem>> -> memref<26x128xf32, #tpu.memory_space<vmem>>
    %dma_wait3A_730 = arith.constant 0 : i32
    %dma_wait3A_731 = arith.constant 0 : i32
    %dma_wait3A_732 = tpu.memref_slice %arg5[%add3A_695, %dma_wait3A_730, %dma_wait3A_731] : memref<16384x26x128xf32, #tpu.memory_space<hbm>> -> memref<1x26x128xf32, #tpu.memory_space<hbm>>
    %dma_wait3A_733 = tpu.memref_squeeze %dma_wait3A_732 : memref<1x26x128xf32, #tpu.memory_space<hbm>> -> memref<26x128xf32, #tpu.memory_space<hbm>>
    %dma_wait3A_734 = tpu.memref_slice %arg12[%dma_wait3A_725] : memref<6x!tpu.dma_semaphore, #tpu.memory_space<semaphore_mem>> -> memref<1x!tpu.dma_semaphore, #tpu.memory_space<semaphore_mem>>
    %dma_wait3A_735 = tpu.memref_squeeze %dma_wait3A_734 : memref<1x!tpu.dma_semaphore, #tpu.memory_space<semaphore_mem>> -> memref<!tpu.dma_semaphore, #tpu.memory_space<semaphore_mem>>
    %dma_wait3A_736 = arith.constant 0 : i32
    %dma_wait3A_737 = arith.constant 0 : i32
    %dma_wait3A_738 = tpu.memref_slice %arg5[%add3A_695, %dma_wait3A_736, %dma_wait3A_737] : memref<16384x26x128xf32, #tpu.memory_space<hbm>> -> memref<1x26x128xf32, #tpu.memory_space<hbm>>
    %dma_wait3A_739 = tpu.memref_squeeze %dma_wait3A_738 : memref<1x26x128xf32, #tpu.memory_space<hbm>> -> memref<26x128xf32, #tpu.memory_space<hbm>>
    %dma_wait3A_740 = arith.constant 26 : i32
    %dma_wait3A_741 = arith.constant 0 : i32
    %dma_wait3A_742 = tpu.memref_slice %arg10[%dma_wait3A_724, %dma_wait3A_740, %dma_wait3A_741] : memref<6x104x128xf32, #tpu.memory_space<vmem>> -> memref<1x26x128xf32, #tpu.memory_space<vmem>>
    %dma_wait3A_743 = tpu.memref_squeeze %dma_wait3A_742 : memref<1x26x128xf32, #tpu.memory_space<vmem>> -> memref<26x128xf32, #tpu.memory_space<vmem>>
    tpu.wait_dma2 semaphore(%dma_wait3A_735 : memref<!tpu.dma_semaphore, #tpu.memory_space<semaphore_mem>>) src(%dma_wait3A_743 : memref<26x128xf32, #tpu.memory_space<vmem>>) dst(%dma_wait3A_739 : memref<26x128xf32, #tpu.memory_space<hbm>>)
    %dma_wait3A_744 = arith.constant 1 : i32
    %dma_wait3A_745 = arith.constant 1 : i32
    %dma_wait3A_746 = arith.constant 52 : i32
    %dma_wait3A_747 = arith.constant 0 : i32
    %dma_wait3A_748 = tpu.memref_slice %arg10[%dma_wait3A_744, %dma_wait3A_746, %dma_wait3A_747] : memref<6x104x128xf32, #tpu.memory_space<vmem>> -> memref<1x26x128xf32, #tpu.memory_space<vmem>>
    %dma_wait3A_749 = tpu.memref_squeeze %dma_wait3A_748 : memref<1x26x128xf32, #tpu.memory_space<vmem>> -> memref<26x128xf32, #tpu.memory_space<vmem>>
    %dma_wait3A_750 = arith.constant 0 : i32
    %dma_wait3A_751 = arith.constant 0 : i32
    %dma_wait3A_752 = tpu.memref_slice %arg5[%add3A_699, %dma_wait3A_750, %dma_wait3A_751] : memref<16384x26x128xf32, #tpu.memory_space<hbm>> -> memref<1x26x128xf32, #tpu.memory_space<hbm>>
    %dma_wait3A_753 = tpu.memref_squeeze %dma_wait3A_752 : memref<1x26x128xf32, #tpu.memory_space<hbm>> -> memref<26x128xf32, #tpu.memory_space<hbm>>
    %dma_wait3A_754 = tpu.memref_slice %arg12[%dma_wait3A_745] : memref<6x!tpu.dma_semaphore, #tpu.memory_space<semaphore_mem>> -> memref<1x!tpu.dma_semaphore, #tpu.memory_space<semaphore_mem>>
    %dma_wait3A_755 = tpu.memref_squeeze %dma_wait3A_754 : memref<1x!tpu.dma_semaphore, #tpu.memory_space<semaphore_mem>> -> memref<!tpu.dma_semaphore, #tpu.memory_space<semaphore_mem>>
    %dma_wait3A_756 = arith.constant 0 : i32
    %dma_wait3A_757 = arith.constant 0 : i32
    %dma_wait3A_758 = tpu.memref_slice %arg5[%add3A_699, %dma_wait3A_756, %dma_wait3A_757] : memref<16384x26x128xf32, #tpu.memory_space<hbm>> -> memref<1x26x128xf32, #tpu.memory_space<hbm>>
    %dma_wait3A_759 = tpu.memref_squeeze %dma_wait3A_758 : memref<1x26x128xf32, #tpu.memory_space<hbm>> -> memref<26x128xf32, #tpu.memory_space<hbm>>
    %dma_wait3A_760 = arith.constant 52 : i32
    %dma_wait3A_761 = arith.constant 0 : i32
    %dma_wait3A_762 = tpu.memref_slice %arg10[%dma_wait3A_744, %dma_wait3A_760, %dma_wait3A_761] : memref<6x104x128xf32, #tpu.memory_space<vmem>> -> memref<1x26x128xf32, #tpu.memory_space<vmem>>
    %dma_wait3A_763 = tpu.memref_squeeze %dma_wait3A_762 : memref<1x26x128xf32, #tpu.memory_space<vmem>> -> memref<26x128xf32, #tpu.memory_space<vmem>>
    tpu.wait_dma2 semaphore(%dma_wait3A_755 : memref<!tpu.dma_semaphore, #tpu.memory_space<semaphore_mem>>) src(%dma_wait3A_763 : memref<26x128xf32, #tpu.memory_space<vmem>>) dst(%dma_wait3A_759 : memref<26x128xf32, #tpu.memory_space<hbm>>)
    %dma_wait3A_764 = arith.constant 1 : i32
    %dma_wait3A_765 = arith.constant 1 : i32
    %dma_wait3A_766 = arith.constant 78 : i32
    %dma_wait3A_767 = arith.constant 0 : i32
    %dma_wait3A_768 = tpu.memref_slice %arg10[%dma_wait3A_764, %dma_wait3A_766, %dma_wait3A_767] : memref<6x104x128xf32, #tpu.memory_space<vmem>> -> memref<1x26x128xf32, #tpu.memory_space<vmem>>
    %dma_wait3A_769 = tpu.memref_squeeze %dma_wait3A_768 : memref<1x26x128xf32, #tpu.memory_space<vmem>> -> memref<26x128xf32, #tpu.memory_space<vmem>>
    %dma_wait3A_770 = arith.constant 0 : i32
    %dma_wait3A_771 = arith.constant 0 : i32
    %dma_wait3A_772 = tpu.memref_slice %arg5[%add3A_703, %dma_wait3A_770, %dma_wait3A_771] : memref<16384x26x128xf32, #tpu.memory_space<hbm>> -> memref<1x26x128xf32, #tpu.memory_space<hbm>>
    %dma_wait3A_773 = tpu.memref_squeeze %dma_wait3A_772 : memref<1x26x128xf32, #tpu.memory_space<hbm>> -> memref<26x128xf32, #tpu.memory_space<hbm>>
    %dma_wait3A_774 = tpu.memref_slice %arg12[%dma_wait3A_765] : memref<6x!tpu.dma_semaphore, #tpu.memory_space<semaphore_mem>> -> memref<1x!tpu.dma_semaphore, #tpu.memory_space<semaphore_mem>>
    %dma_wait3A_775 = tpu.memref_squeeze %dma_wait3A_774 : memref<1x!tpu.dma_semaphore, #tpu.memory_space<semaphore_mem>> -> memref<!tpu.dma_semaphore, #tpu.memory_space<semaphore_mem>>
    %dma_wait3A_776 = arith.constant 0 : i32
    %dma_wait3A_777 = arith.constant 0 : i32
    %dma_wait3A_778 = tpu.memref_slice %arg5[%add3A_703, %dma_wait3A_776, %dma_wait3A_777] : memref<16384x26x128xf32, #tpu.memory_space<hbm>> -> memref<1x26x128xf32, #tpu.memory_space<hbm>>
    %dma_wait3A_779 = tpu.memref_squeeze %dma_wait3A_778 : memref<1x26x128xf32, #tpu.memory_space<hbm>> -> memref<26x128xf32, #tpu.memory_space<hbm>>
    %dma_wait3A_780 = arith.constant 78 : i32
    %dma_wait3A_781 = arith.constant 0 : i32
    %dma_wait3A_782 = tpu.memref_slice %arg10[%dma_wait3A_764, %dma_wait3A_780, %dma_wait3A_781] : memref<6x104x128xf32, #tpu.memory_space<vmem>> -> memref<1x26x128xf32, #tpu.memory_space<vmem>>
    %dma_wait3A_783 = tpu.memref_squeeze %dma_wait3A_782 : memref<1x26x128xf32, #tpu.memory_space<vmem>> -> memref<26x128xf32, #tpu.memory_space<vmem>>
    tpu.wait_dma2 semaphore(%dma_wait3A_775 : memref<!tpu.dma_semaphore, #tpu.memory_space<semaphore_mem>>) src(%dma_wait3A_783 : memref<26x128xf32, #tpu.memory_space<vmem>>) dst(%dma_wait3A_779 : memref<26x128xf32, #tpu.memory_space<hbm>>)
    return
  }
}

</mosaic_0001>

<sc_bundles>
// kernel: _run.3.cloned.1.call-start
scs
__scs_entry_jumppad:
0x0: {  	(pc) =	sbr.rel $0x88, $3  }
0x1: {  	(tag) =	ssettag $0x0;
	lr =	simm.s32 $0x1  }
0x2: {  	[smem:$0x3F9E] =	sst lr;
	_ =	strace $0xD0000000  }
0x3: {  	_ = 	snop  }
0x4: {  	_ = 	snop  }
0x5: {  	_ = 	snop  }
0x6: {  	_ = 	snop  }
0x7: {  	_ = 	snop  }
__scs_overlays_trampoline_lowered:
0x8: {  	[smem:$0x3FAD] =	sst s0  }
0x9: {  	[smem:$0x3FAE] =	sst s1  }
0xa: {  	[smem:$0x3FAF] =	sst s2  }
0xb: {  	[smem:$0x3FB0] =	sst s3  }
0xc: {  	[smem:$0x3FB1] =	sst s4  }
0xd: {  	[smem:$0x3FB2] =	sst s5  }
0xe: {  	[smem:$0x3FB3] =	sst s6  }
0xf: {  	[smem:$0x3FB4] =	sst s7  }
0x10: {  	[smem:$0x3FB5] =	sst s8  }
0x11: {  	[smem:$0x3FB6] =	sst s9;
	s0 =	simm.s32 @!p0 $0x0  }
0x12: {  	s1 =	sld [smem:$0x3F9C];
	s0 =	simm.s32 @p0 $0x1  }
0x13: {  	[smem:$0x3FB7] =	sst s0;
	s0 =	simm.s32 @!p1 $0x0  }
0x14: {  	s2 =	sld [smem:$0x3F9B];
	s0 =	simm.s32 @p1 $0x1  }
0x15: {  	[smem:$0x3FB8] =	sst s0;
	s0 =	simm.s32 @!p2 $0x0  }
0x16: {  	s3 =	sld [smem:$0x3FDB];
	s0 =	simm.s32 @p2 $0x1  }
0x17: {  	s4 =	simm.s32 $0x1BF5;
	[smem:$0x3FBA] =	sst s0  }
0x18: {  	s0 =	sld [smem:$0x3F9D];
	_ =	swait.ge [sflag:s4], $0x0  }
0x19: {  	s7 =	sld [smem:$0x3F9E]  }
0x1a: {  	s8 =	sadd.s32 $0xFFFFE003, lr  }
0x1b: {  	s9 =	sadd.s32 $0xFFFFFEF7, lr;
	s5 =	simm.s32 $0xFFFFFFFF;
	p2 =	slt.u32 s8, $0xFFFFF086  }
0x1c: {  	p1 =	slt.u32 s9, $0xF7A;
	s5 =	simm.s32 @!p2 $0x0  }
0x1d: {  	s5 =	simm.s32 @p1 $0x1;
	p0 =	seq.s32 s7, s2  }
0x1e: {  	s7 =	smul.u32 @!p0 $0xF7A, s2;
	p2 =	seq.s32 @!p0 s5, $0x0  }
0x1f: {  	s9 =	smul.u32 $0xF7A, s1;
	s8 =	simm.s32 @!p0 $0x1BF5;
	p2 =	por !p2, p0  }
0x20: {  	[sflag:s8] =	ssyncset.s32 @!p0 $0xFFFFF086;
	s6 =	sadd.s32 @!p0 s3, s7;
	s7 =	simm.s32 @!p0 $0x108  }
0x21: {  	s3 =	sadd.s32 s3, s9;
	s6 =	sadd.s32 @!p0 $0x88, s6;
	s7 =	simm.s32 @p2 $0x1082  }
0x22: {  	[simem:s7], [sflag:s8] =	dma.local @!p0 [hbm:s6], $0xF7A  }
0x23: {  	s9 =	sor.u32 $0xD0000000, s2;
	s6 =	simm.s32 $0x108;
	_ =	swait.ge @!p0 [sflag:s8], $0x0  }
0x24: {  	s3 =	sadd.s32 $0x88, s3;
	s6 =	simm.s32 @!p1 $0x1082;
	[sflag:s4] =	ssyncset.s32 $0xFFFFF086  }
0x25: {  	[simem:s6], [sflag:s4] =	dma.local [hbm:s3], $0xF7A  }
0x26: {  	[smem:$0x3F9E] =	sst s1;
	(tag) =	ssettag s2;
	_ =	strace s9  }
0x27: {  	s1 =	sld [smem:$0x3FAE]  }
0x28: {  	s2 =	sld [smem:$0x3FAF]  }
0x29: {  	s4 =	sld [smem:$0x3FB1]  }
0x2a: {  	p0 =	seq.s32 s5, $0x0;
	s5 =	sld [smem:$0x3FB2]  }
0x2b: {  	s6 =	sld [smem:$0x3FB3]  }
0x2c: {  	s7 =	sld [smem:$0x3FB4]  }
0x2d: {  	s3 =	simm.s32 $0x108;
	s8 =	sld [smem:$0x3FB5]  }
0x2e: {  	s3 =	simm.s32 @!p0 $0x1082;
	s9 =	sld [smem:$0x3FB6]  }
0x2f: {  	lr =	sadd.s32 s0, s3;
	s0 =	sld [smem:$0x3FAD]  }
0x30: {  	s3 =	sld [smem:$0x3FB0]  }
0x31: {  	[smem:$0x3FB9] =	sst s10  }
0x32: {  	s10 =	sld [smem:$0x3FB7];
	_ =	sdelay $0x3  }
0x33: {  	p0 =	seq.s32 s10, $0x1;
	s10 =	sld [smem:$0x3FB9];
	_ =	sdelay $0x3  }
0x34: {  	[smem:$0x3FB9] =	sst s10  }
0x35: {  	s10 =	sld [smem:$0x3FB8];
	_ =	sdelay $0x3  }
0x36: {  	p1 =	seq.s32 s10, $0x1;
	s10 =	sld [smem:$0x3FB9];
	_ =	sdelay $0x3  }
0x37: {  	[smem:$0x3FB9] =	sst s10  }
0x38: {  	s10 =	sld [smem:$0x3FBA]  }
0x39: {  	_ = 	snop;
	(pc) =	sbr.ind lr, $3  }
0x3a: {  	_ = 	snop  }
0x3b: {  	_ = 	snop  }
0x3c: {  	p2 =	seq.s32 s10, $0x1;
	s10 =	sld [smem:$0x3FB9]  }
0x3d: {  	_ =	shalt  }
0x3e: {  	_ =	shalt  }
0x3f: {  	_ =	shalt  }
0x40: {  	_ =	shalt  }
0x41: {  	_ =	shalt  }
0x42: {  	_ =	shalt  }
0x43: {  	_ =	shalt  }
0x44: {  	_ =	shalt  }
0x45: {  	_ =	shalt  }
0x46: {  	_ =	shalt  }
0x47: {  	_ =	shalt  }
0x48: {  	_ =	shalt  }
0x49: {  	_ =	shalt  }
0x4a: {  	_ =	shalt  }
0x4b: {  	_ =	shalt  }
0x4c: {  	_ =	shalt  }
0x4d: {  	_ =	shalt  }
0x4e: {  	_ =	shalt  }
0x4f: {  	_ =	shalt  }
0x50: {  	_ =	shalt  }
0x51: {  	_ =	shalt  }
0x52: {  	_ =	shalt  }
0x53: {  	_ =	shalt  }
0x54: {  	_ =	shalt  }
0x55: {  	_ =	shalt  }
0x56: {  	_ =	shalt  }
0x57: {  	_ =	shalt  }
0x58: {  	_ =	shalt  }
0x59: {  	_ =	shalt  }
0x5a: {  	_ =	shalt  }
0x5b: {  	_ =	shalt  }
0x5c: {  	_ =	shalt  }
0x5d: {  	_ =	shalt  }
0x5e: {  	_ =	shalt  }
0x5f: {  	_ =	shalt  }
0x60: {  	_ =	shalt  }
0x61: {  	_ =	shalt  }
0x62: {  	_ =	shalt  }
0x63: {  	_ =	shalt  }
0x64: {  	_ =	shalt  }
0x65: {  	_ =	shalt  }
0x66: {  	_ =	shalt  }
0x67: {  	_ =	shalt  }
0x68: {  	_ =	shalt  }
0x69: {  	_ =	shalt  }
0x6a: {  	_ =	shalt  }
0x6b: {  	_ =	shalt  }
0x6c: {  	_ =	shalt  }
0x6d: {  	_ =	shalt  }
0x6e: {  	_ =	shalt  }
0x6f: {  	_ =	shalt  }
0x70: {  	_ =	shalt  }
0x71: {  	_ =	shalt  }
0x72: {  	_ =	shalt  }
0x73: {  	_ =	shalt  }
0x74: {  	_ =	shalt  }
0x75: {  	_ =	shalt  }
0x76: {  	_ =	shalt  }
0x77: {  	_ =	shalt  }
0x78: {  	_ =	shalt  }
0x79: {  	_ =	shalt  }
0x7a: {  	_ =	shalt  }
0x7b: {  	_ =	shalt  }
0x7c: {  	_ =	shalt  }
0x7d: {  	_ =	shalt  }
0x7e: {  	_ =	shalt  }
0x7f: {  	_ =	shalt  }
0x80: {  	_ =	shalt  }
0x81: {  	_ =	shalt  }
0x82: {  	_ =	shalt  }
0x83: {  	_ =	shalt  }
0x84: {  	_ =	shalt  }
0x85: {  	_ =	shalt  }
0x86: {  	_ =	shalt  }
0x87: {  	_ =	shalt  }
.Lfunc_end0:
.L_simem_size_0:
called_computation_lowered:
.L_overlay_start_0:
0x88: {  	s2 =	sld [smem:$0x3FD9]  }
0x89: {  	s3 =	sld [smem:$0x3FFE];
	_ =	sdelay $0x1  }
0x8a: {  	s1 =	srdreg.scid  }
0x8b: {  	s0 =	sand.u32 $0x1, s1  }
0x8c: {  	s17 =	sshll.u32 s0, $0xA;
	s2 =	sadd.s32 s3, s2  }
0x8d: {  	s2 =	sadd.s32 s2, s17  }
0x8e: {  	[smem:$0x3FC5] =	sst s2  }
0x8f: {  	_ = 	snop  }
0x90: {  	s2 =	sld [smem:$0x3FC9]  }
0x91: {  	s18 =	sld [smem:$0x3FC8]  }
0x92: {  	s4 =	sld [smem:$0x3FC7];
	(tm) =	ssettm $0x1  }
0x93: {  	s5 =	sld [smem:$0x3FFB];
	_ =	sdelay $0x3  }
0x94: {  	_ =	strace s5  }
0x95: {  	s5 =	sld [smem:$0x3FFC];
	_ =	sdelay $0x3  }
0x96: {  	_ =	strace s5  }
0x97: {  	s5 =	sld [smem:$0x3FFD];
	_ =	sdelay $0x3  }
0x98: {  	_ =	strace s5  }
0x99: {  	_ =	strace $0x8FFFFFFF  }
0x9a: {  	s19 =	sld [smem:$0x3FDB];
	_ =	sdelay $0x1  }
0x9b: {  	s6 =	simm.s32 $_scs_section_size  }
0x9c: {  	s7 =	simm.s32 $_size__tile_overlayer_lowered;
	s8 =	simm.s32 $_tile_overlayer_lowered  }
0x9d: {  	s22 =	simm.s32 $0x1BFF;
	s21 =	sshll.u32 s8, $0x1;
	s5 =	sadd.s32 s6, s19  }
0x9e: {  	s9 =	simm.s32 $0x0;
	s20 =	sshll.u32 s7, $0x1;
	s7 =	sadd.s32 s21, s5  }
0x9f: {  	[timem:s9], [sflag:s22] =	dma.local [hbm:s7], s20  }
0xa0: {  	_ =	swait.ge [sflag:s22], s20  }
0xa1: {  	s6 =	ssub.s32 $0x0, s20;
	[sflag:s22] =	ssyncset.done $0x0  }
0xa2: {  	[sflag:s22] =	ssyncadd.s32 s6;
	_ =	sdelay $0x1  }
0xa3: {  	s23 =	simm.s32 $0x1B8B  }
0xa4: {  	_ =	swait.ge [sflag:s23], $0x1  }
0xa5: {  	[sflag:s23] =	ssyncset.done $0x0  }
0xa6: {  	s25 =	simm.s32 $0x1B8E;
	s24 =	sld [smem:$0x3FFE];
	[sflag:s23] =	ssyncadd.s32 $0xFFFFFFFF  }
0xa7: {  	s26 =	simm.s32 $execute0_lowered;
	[smem:$0x3FD2] =	sst s25  }
0xa8: {  	s7 =	sshll.u32 s26, $0x1;
	_ =	strace $0x80000046;
	[dreg:$0x1] =	wrdreg $0xFFFFFFFF  }
0xa9: {  	s28 =	simm.s32 $_size_execute0_lowered;
	s5 =	sadd.s32 s5, s7;
	[dreg:$0x0] =	wrdreg $0x0  }
0xaa: {  	s7 =	sshll.u32 s28, $0x1;
	[dreg:$0x2] =	wrdreg s5  }
0xab: {  	[dreg:$0x3] =	wrdreg s7  }
0xac: {  	[dreg:$0x4] =	wrdreg $0xC0  }
0xad: {  	_ =	task [dreg:s9], $0x5FFFF  }
0xae: {  	[dreg:$0x1] =	wrdreg $0xFFFFFFFF  }
0xaf: {  	[dreg:$0x0] =	wrdreg $0x60  }
0xb0: {  	[dreg:$0x2] =	wrdreg s2  }
0xb1: {  	[dreg:$0x3] =	wrdreg s18  }
0xb2: {  	[dreg:$0x4] =	wrdreg s4  }
0xb3: {  	[dreg:$0x5] =	wrdreg s24  }
0xb4: {  	[dreg:$0x6] =	wrdreg $0x9  }
0xb5: {  	_ =	task.clear_ibuf [dreg:s9], $0x7FFFF;
	_ =	strace $0x90000046  }
0xb6: {  	s29 =	simm.s32 $0x9;
	_ =	strace $0x80000048  }
0xb7: {  	_ =	swait.ge [sflag:s29], $0x1  }
0xb8: {  	[sflag:s29] =	ssyncadd.s32 $0xFFFFFFFF  }
0xb9: {  	_ =	strace $0x90000048  }
0xba: {  	_ =	sfence  }
0xbb: {  	s30 =	sld [smem:$0x0];
	_ =	sdelay $0x2  }
0xbc: {  	s31 =	sshll.u32 s1, $0xD;
	s1 =	sshrl.u32 s1, $0x2  }
0xbd: {  	s3 =	sand.u32 $0x4000, s31;
	s1 =	sadd.s32 s1, s30  }
0xbe: {  	s0 =	sor.u32 s3, s0;
	s1 =	sshll.u32 s1, $0x11  }
0xbf: {  	s0 =	sor.u32 s1, s0  }
0xc0: {  	s0 =	sadd.s32 $0x8F2B, s0  }
0xc1: {  	[sflag:s0] =	ssyncadd.remote.s32 $0x1  }
0xc2: {  	_ =	sfence.sel $0xFFFF  }
0xc3: {  	[dreg:$0x0] =	wrdreg $0xFFFFFFFF;
	(pc) =	sbr.abs _section_cstart, $3  }
0xc4: {  	[dreg:$0x1] =	wrdreg $0xFFFFFFFF  }
0xc5: {  	_ =	task.clear_ibuf [dreg:s9], $0x2FFFF;
	_ =	strace $0x9FFFFFFF  }
0xc6: {  	(tm) =	ssettm $0x7FFFFFFF  }
0xc7: {  	_ =	shalt  }
tec
execute0_lowered:
.L_overlay_start_1:
0x0: {  	(tag) =	ssettag $0x1  }
0x1: {  	v0 =	vimm.s32 $0x5040302  }
0x2: {  	v2 =	vimm.s32 $0x32107654;
	v3 =	vimm.s32 $0x13121110;
	v4 =	vimm.s32 $0x17161514  }
0x3: {  	vm0 =	vcmask $0x1F10;
	v7 =	vimm.s32 $0x19181716;
	v8 =	vimm.s32 $0xF0E0D0C  }
0x4: {  	vm1 =	vcmask $0x2F10;
	v9 =	vimm.s32 $0xB0A0908;
	vm15 =	vcmask $0x3F30  }
0x5: {  	v1 =	vunpack.c.0.s8.s32 v0;
	v0 =	vimm.s32 $0x1001918;
	v2 =	vunpack.c.l.s4.s8 v2  }
0x6: {  	v3 =	vunpack.c.0.s8.s32 v3;
	v4 =	vunpack.c.0.s8.s32 v4;
	v7 =	vunpack.c.0.s8.s32 v7  }
0x7: {  	s5 =	rddreg [dreg:$0x0];
	v8 =	vunpack.c.0.s8.s32 v8;
	v5 =	vunpack.c.0.s8.s32 v0;
	v0 =	vlaneseq.u32  }
0x8: {  	s0 =	rddreg [dreg:$0x1];
	v2 =	vunpack.c.0.s8.s32 v2;
	v6 =	vsel vm0, v4, v3;
	v10 =	vor.u32 $0x40, v0  }
0x9: {  	s1 =	rddreg [dreg:$0x2];
	v11 =	vor.u32 $0x50, v0;
	v12 =	vadd.s32 $0x58, v0;
	v13 =	vadd.s32 $0x68, v0  }
0xa: {  	s6 =	rddreg [dreg:$0x3];
	s3 =	simm.s32 $0x0;
	v14 =	vadd.s32 $0x78, v0;
	v15 =	vadd.s32 $0x88, v0;
	v16 =	vadd.s32 $0x98, v0  }
0xb: {  	s7 =	srdreg.scid;
	s4 =	stileid.u32;
	s12 =	simm.s32 $0x68;
	v17 =	vadd.s32 $0xA8, v0;
	v18 =	vadd.s32 $0xB8, v0;
	v19 =	vor.u32 $0xC0, v0  }
0xc: {  	s13 =	simm.s32 $0x3400;
	s14 =	simm.s32 $0x7500;
	s15 =	simm.s32 $0x3480;
	v20 =	vor.u32 $0xD0, v0;
	v21 =	vor.u32 $0xE0, v0;
	v22 =	vor.u32 $0xF0, v0  }
0xd: {  	s16 =	simm.s32 $0xA900;
	s17 =	simm.s32 $0x3500;
	s18 =	simm.s32 $0xDD00;
	v23 =	vor.u32 $0x100, v0;
	v24 =	vor.u32 $0x110, v0;
	v25 =	vor.u32 $0x120, v0  }
0xe: {  	s19 =	simm.s32 $0xC;
	s20 =	simm.s32 $0x7;
	s21 =	simm.s32 $0x8;
	v26 =	vadd.s32 $0x128, v0;
	v27 =	vadd.s32 $0x138, v0;
	v28 =	vadd.s32 $0x148, v0  }
0xf: {  	s22 =	simm.s32 $0x0;
	[smem:$0x7FF] =	sst s3;
	s7 =	sand.u32 $0x1, s7;
	v29 =	vadd.s32 $0x158, v0;
	v30 =	vadd.s32 $0x168, v0;
	v31 =	vadd.s32 $0x178, v0  }
0x10: {  	s8 =	sshrl.u32 s4, $0x2;
	s9 =	sshll.u32 s4, $0x8;
	s11 =	sshll.u32 s4, $0x13;
	v32 =	vadd.s32 $0x188, v0;
	v33 =	vor.u32 $0x190, v0;
	v34 =	vor.u32 $0x1A0, v0  }
0x11: {  	_ =	strace $0x80000047;
	s10 =	sshll.u32 s7, $0x7;
	s8 =	smul.u32 $0x1A000, s8;
	v35 =	vor.u32 $0x1B0, v0;
	v36 =	vor.u32 $0x1C0, v0;
	v37 =	vor.u32 $0x1D0, v0  }
0x12: {  	s6 =	sadd.s32 s11, s6;
	s29 =	ssub.s32 $0x2, s7;
	s7 =	sshll.u32 s7, $0x12;
	v38 =	vor.u32 $0x1E0, v0;
	v39 =	vor.u32 $0x1F0, v0;
	v40 =	vadd.s32 $0x1F8, v0  }
.Ltmp0:
0x13: {  	s11 =	simm.s32 $0x7400;
	s9 =	sor.u32 s10, s9;
	v1 =	vsel vm0, v1, v5;
	v4 =	vsel vm0, v5, v4;
	v5 =	vsel vm0, v3, v8;
	(pc) =	sbr.rel .LBB2_1-.Ltmp0, $4  }
0x14: {  	s30 =	sshrl.u32 s29, $0x1;
	s7 =	sadd.s32 s7, s6;
	v8 =	vor.u32 $0x20, v0;
	s9 =	sand.u32 $0x380, s9;
	v2 =	vand.u32 $0xF, v2;
	v1 =	vcombine.low v6, v1  }
0x15: {  	s10 =	simm.s32 $0xD;
	s31 =	ssub.s32 s29, s30;
	v4 =	vcombine.low v5, v4;
	s8 =	sor.u32 s8, s9;
	v6 =	vsel vm1, v2, v7;
	v7 =	vunpack.c.0.s8.s32 v9  }
0x16: {  	s7 =	sadd.s32 $0xA00, s7;
	v5 =	vadd.s32 $0x2, v0;
	s6 =	smax.u32 s31, $0x1;
	v2 =	vadd.s32 $0x6, v0;
	v9 =	vor.u32 $0x30, v0;
	s8 =	sshrl.u32 s8, $0x3  }
0x17: {  	s9 =	simm.s32 $0x400;
	s5 =	sadd.s32 s5, s8;
	s8 =	simm.s32 $0x80;
	v3 =	vsel vm15, v7, v6;
	v6 =	vadd.s32 $0xA, v0;
	v7 =	vor.u32 $0x10, v0  }
.LBB2_8:
0x18: {  	_ =	swait.ge [sflag:s19], $0xD00  }
0x19: {  	[sflag:s19] =	ssyncset.done $0x0  }
0x1a: {  	[sflag:s19] =	ssyncadd.s32 $0xFFFFF300  }
0x1b: {  	_ =	swait.ge [sflag:s19], $0xD00  }
0x1c: {  	[sflag:s19] =	ssyncset.done $0x0  }
0x1d: {  	[sflag:s19] =	ssyncadd.s32 $0xFFFFF300  }
0x1e: {  	_ =	swait.ge [sflag:s19], $0xD00  }
0x1f: {  	[sflag:s19] =	ssyncset.done $0x0  }
0x20: {  	[sflag:s19] =	ssyncadd.s32 $0xFFFFF300  }
0x21: {  	_ =	swait.ge [sflag:s19], $0xD00  }
0x22: {  	[sflag:s19] =	ssyncset.done $0x0  }
0x23: {  	[sflag:s19] =	ssyncadd.s32 $0xFFFFF300  }
0x24: {  	_ =	swait.ge [sflag:s20], $0xD00  }
0x25: {  	[sflag:s20] =	ssyncset.done $0x0  }
0x26: {  	[sflag:s20] =	ssyncadd.s32 $0xFFFFF300  }
0x27: {  	_ =	swait.ge [sflag:s20], $0xD00  }
0x28: {  	[sflag:s20] =	ssyncset.done $0x0  }
0x29: {  	[sflag:s20] =	ssyncadd.s32 $0xFFFFF300  }
0x2a: {  	_ =	swait.ge [sflag:s20], $0xD00  }
0x2b: {  	[sflag:s20] =	ssyncset.done $0x0  }
0x2c: {  	[sflag:s20] =	ssyncadd.s32 $0xFFFFF300  }
0x2d: {  	_ =	swait.ge [sflag:s20], $0xD00  }
0x2e: {  	[sflag:s20] =	ssyncset.done $0x0  }
0x2f: {  	[sflag:s20] =	ssyncadd.s32 $0xFFFFF300  }
0x30: {  	_ =	swait.ge [sflag:s21], $0xD00  }
0x31: {  	[sflag:s21] =	ssyncset.done $0x0  }
0x32: {  	[sflag:s21] =	ssyncadd.s32 $0xFFFFF300  }
0x33: {  	_ =	swait.ge [sflag:s21], $0xD00  }
0x34: {  	[sflag:s21] =	ssyncset.done $0x0  }
0x35: {  	s22 =	sadd.s32 $0x1, s22;
	[sflag:s21] =	ssyncadd.s32 $0xFFFFF300  }
0x36: {  	p0 =	sne.s32 s22, s6;
	_ =	swait.ge [sflag:s21], $0xD00  }
.Ltmp1:
0x37: {  	[sflag:s21] =	ssyncset.done $0x0;
	(pc) =	sbr.rel @!p0 .LBB2_9-.Ltmp1, $4  }
0x38: {  	[sflag:s21] =	ssyncadd.s32 $0xFFFFF300  }
0x39: {  	_ =	swait.ge [sflag:s21], $0xD00  }
0x3a: {  	[sflag:s21] =	ssyncset.done $0x0  }
0x3b: {  	[sflag:s21] =	ssyncadd.s32 $0xFFFFF300  }
.LBB2_1:
0x3c: {  	[tilespmem:s3], [sflag:$0xD] =	stream.strided.gather [hbm4b:s5+s8], $0x3400, s9, s8, $0x38;
	[tilespmem:$0x1AD00] =	vst v63  }
0x3d: {  	_ =	swait.ge [sflag:s10], $0x3400  }
0x3e: {  	[sflag:s10] =	ssyncset.done $0x0  }
0x3f: {  	[sflag:s10] =	ssyncadd.s32 $0xFFFFCC00  }
0x40: {  	[tilespmem:s11], [sflag:$0xD] =	stream.linear.gather [hbm4b:s0+s3], $0x80, $0x38;
	[tilespmem:$0x1AD00] =	vst v63  }
0x41: {  	_ =	swait.ge [sflag:s10], $0x80  }
0x42: {  	[sflag:s10] =	ssyncset.done $0x0  }
0x43: {  	[sflag:s10] =	ssyncadd.s32 $0xFFFFFF80  }
0x44: {  	v41 =	vld.idx.msk [tilespmem:v0+s11+$0x0], $0xffff;
	_ =	sdelay $0x4  }
0x45: {  	[tilespmem:$0x7480] =	vst v41  }
0x46: {  	v42 =	vld.idx.msk [tilespmem:v1+s11+$0x0], $0xffff;
	_ =	sdelay $0x4  }
0x47: {  	[tilespmem:$0x7490] =	vst v42  }
0x48: {  	v42 =	vld.idx.msk [tilespmem:v2+s11+$0x0], $0xffff;
	_ =	sdelay $0x4  }
0x49: {  	[tilespmem:$0x74A0] =	vst v42  }
0x4a: {  	v42 =	vld.idx.msk [tilespmem:v3+s11+$0x0], $0xffff;
	_ =	sdelay $0x4  }
0x4b: {  	[tilespmem:$0x74B0] =	vst v42  }
0x4c: {  	v42 =	vld.idx.msk [tilespmem:v4+s11+$0x0], $0xffff;
	_ =	sdelay $0x4  }
0x4d: {  	[tilespmem:$0x74C0] =	vst v42  }
0x4e: {  	v42 =	vld.idx.msk [tilespmem:v5+s11+$0x0], $0xffff;
	_ =	sdelay $0x4  }
0x4f: {  	[tilespmem:$0x74D0] =	vst v42  }
0x50: {  	v42 =	vld.idx.msk [tilespmem:v6+s11+$0x0], $0xffff;
	_ =	sdelay $0x4  }
0x51: {  	[tilespmem:$0x74D8] =	vst v42  }
0x52: {  	v42 =	vld.idx.msk [tilespmem:v0+s3+$0x0], $0xffff;
	_ =	sdelay $0x4  }
0x53: {  	v41 =	vadd.s32 v41, v42  }
0x54: {  	v49 =	vld [tilespmem:$0x7490];
	[tilespmem:$0x3400] =	vst v41  }
0x55: {  	v41 =	vld.idx.msk [tilespmem:v7+s3+$0x0], $0xffff;
	_ =	sdelay $0x4  }
0x56: {  	v41 =	vadd.s32 v41, v49  }
0x57: {  	v50 =	vld [tilespmem:$0x74A0];
	[tilespmem:$0x3410] =	vst v41  }
0x58: {  	v41 =	vld.idx.msk [tilespmem:v8+s3+$0x0], $0xffff;
	_ =	sdelay $0x4  }
0x59: {  	v41 =	vadd.s32 v41, v50  }
0x5a: {  	v51 =	vld [tilespmem:$0x74B0];
	[tilespmem:$0x3420] =	vst v41  }
0x5b: {  	v41 =	vld.idx.msk [tilespmem:v9+s3+$0x0], $0xffff;
	_ =	sdelay $0x4  }
0x5c: {  	v41 =	vadd.s32 v41, v51  }
0x5d: {  	v52 =	vld [tilespmem:$0x74C0];
	[tilespmem:$0x3430] =	vst v41  }
0x5e: {  	v41 =	vld.idx.msk [tilespmem:v10+s3+$0x0], $0xffff;
	_ =	sdelay $0x4  }
0x5f: {  	v41 =	vadd.s32 v41, v52  }
0x60: {  	v53 =	vld [tilespmem:$0x74D0];
	[tilespmem:$0x3440] =	vst v41  }
0x61: {  	v41 =	vld.idx.msk [tilespmem:v11+s3+$0x0], $0xffff;
	_ =	sdelay $0x4  }
0x62: {  	v41 =	vadd.s32 v41, v53  }
0x63: {  	v54 =	vld [tilespmem:$0x74D8];
	[tilespmem:$0x3450] =	vst v41  }
0x64: {  	v41 =	vld.idx.msk [tilespmem:v12+s3+$0x0], $0xffff;
	_ =	sdelay $0x4  }
0x65: {  	v41 =	vadd.s32 v41, v54  }
0x66: {  	[tilespmem:$0x3458] =	vst v41  }
0x67: {  	[tilespmem:s14], [sflag:$0x1] =	stream.indirect.gather [hbm4b:s1+s12], $0x80, s13, s12, $0xb8;
	[tilespmem:$0x1AD00] =	vst v63  }
0x68: {  	v41 =	vld.idx.msk [tilespmem:v13+s3+$0x0], $0xffff  }
0x69: {  	v55 =	vld [tilespmem:$0x7480];
	_ =	sdelay $0x4  }
0x6a: {  	v41 =	vadd.s32 v41, v55  }
0x6b: {  	v56 =	vld [tilespmem:$0x7490];
	[tilespmem:$0x3480] =	vst v41  }
0x6c: {  	v41 =	vld.idx.msk [tilespmem:v14+s3+$0x0], $0xffff;
	_ =	sdelay $0x4  }
0x6d: {  	v41 =	vadd.s32 v41, v56  }
0x6e: {  	v57 =	vld [tilespmem:$0x74A0];
	[tilespmem:$0x3490] =	vst v41  }
0x6f: {  	v41 =	vld.idx.msk [tilespmem:v15+s3+$0x0], $0xffff;
	_ =	sdelay $0x4  }
0x70: {  	v41 =	vadd.s32 v41, v57  }
0x71: {  	v58 =	vld [tilespmem:$0x74B0];
	[tilespmem:$0x34A0] =	vst v41  }
0x72: {  	v41 =	vld.idx.msk [tilespmem:v16+s3+$0x0], $0xffff;
	_ =	sdelay $0x4  }
0x73: {  	v41 =	vadd.s32 v41, v58  }
0x74: {  	v59 =	vld [tilespmem:$0x74C0];
	[tilespmem:$0x34B0] =	vst v41  }
0x75: {  	v41 =	vld.idx.msk [tilespmem:v17+s3+$0x0], $0xffff;
	_ =	sdelay $0x4  }
0x76: {  	v41 =	vadd.s32 v41, v59  }
0x77: {  	v60 =	vld [tilespmem:$0x74D0];
	[tilespmem:$0x34C0] =	vst v41  }
0x78: {  	v41 =	vld.idx.msk [tilespmem:v18+s3+$0x0], $0xffff;
	_ =	sdelay $0x4  }
0x79: {  	v41 =	vadd.s32 v41, v60  }
0x7a: {  	v61 =	vld [tilespmem:$0x74D8];
	[tilespmem:$0x34D0] =	vst v41  }
0x7b: {  	v41 =	vld.idx.msk [tilespmem:v19+s3+$0x0], $0xffff;
	_ =	sdelay $0x4  }
0x7c: {  	v41 =	vadd.s32 v41, v61  }
0x7d: {  	[tilespmem:$0x34D8] =	vst v41  }
0x7e: {  	[tilespmem:s16], [sflag:$0x2] =	stream.indirect.gather [hbm4b:s1+s12], $0x80, s15, s12, $0xb8;
	[tilespmem:$0x1AD00] =	vst v63  }
0x7f: {  	v41 =	vld.idx.msk [tilespmem:v20+s3+$0x0], $0xffff  }
0x80: {  	v62 =	vld [tilespmem:$0x7480];
	_ =	sdelay $0x4  }
0x81: {  	v41 =	vadd.s32 v41, v62  }
0x82: {  	v63 =	vld [tilespmem:$0x7490];
	[tilespmem:$0x3500] =	vst v41  }
0x83: {  	v41 =	vld.idx.msk [tilespmem:v21+s3+$0x0], $0xffff;
	_ =	sdelay $0x4  }
0x84: {  	v41 =	vadd.s32 v41, v63  }
0x85: {  	v45 =	vld [tilespmem:$0x74A0];
	[tilespmem:$0x3510] =	vst v41  }
0x86: {  	v41 =	vld.idx.msk [tilespmem:v22+s3+$0x0], $0xffff;
	_ =	sdelay $0x4  }
0x87: {  	v41 =	vadd.s32 v41, v45  }
0x88: {  	v46 =	vld [tilespmem:$0x74B0];
	[tilespmem:$0x3520] =	vst v41  }
0x89: {  	v41 =	vld.idx.msk [tilespmem:v23+s3+$0x0], $0xffff;
	_ =	sdelay $0x4  }
0x8a: {  	v41 =	vadd.s32 v41, v46  }
0x8b: {  	v47 =	vld [tilespmem:$0x74C0];
	[tilespmem:$0x3530] =	vst v41  }
0x8c: {  	v41 =	vld.idx.msk [tilespmem:v24+s3+$0x0], $0xffff;
	_ =	sdelay $0x4  }
0x8d: {  	v41 =	vadd.s32 v41, v47  }
0x8e: {  	v48 =	vld [tilespmem:$0x74D0];
	[tilespmem:$0x3540] =	vst v41  }
0x8f: {  	v41 =	vld.idx.msk [tilespmem:v25+s3+$0x0], $0xffff;
	_ =	sdelay $0x4  }
0x90: {  	v41 =	vadd.s32 v41, v48  }
0x91: {  	v49 =	vld [tilespmem:$0x74D8];
	[tilespmem:$0x3550] =	vst v41  }
0x92: {  	v41 =	vld.idx.msk [tilespmem:v26+s3+$0x0], $0xffff;
	_ =	sdelay $0x4  }
0x93: {  	v41 =	vadd.s32 v41, v49  }
0x94: {  	[tilespmem:$0x3558] =	vst v41  }
0x95: {  	[tilespmem:s18], [sflag:$0x3] =	stream.indirect.gather [hbm4b:s1+s12], $0x80, s17, s12, $0xb8;
	[tilespmem:$0x1AD00] =	vst v63  }
0x96: {  	v41 =	vld.idx.msk [tilespmem:v27+s3+$0x0], $0xffff  }
0x97: {  	v50 =	vld [tilespmem:$0x7480];
	_ =	sdelay $0x4  }
0x98: {  	v41 =	vadd.s32 v41, v50  }
0x99: {  	v51 =	vld [tilespmem:$0x7490];
	[tilespmem:$0x3580] =	vst v41  }
0x9a: {  	v41 =	vld.idx.msk [tilespmem:v28+s3+$0x0], $0xffff;
	_ =	sdelay $0x4  }
0x9b: {  	v41 =	vadd.s32 v41, v51  }
0x9c: {  	v52 =	vld [tilespmem:$0x74A0];
	[tilespmem:$0x3590] =	vst v41  }
0x9d: {  	v41 =	vld.idx.msk [tilespmem:v29+s3+$0x0], $0xffff;
	_ =	sdelay $0x4  }
0x9e: {  	v41 =	vadd.s32 v41, v52  }
0x9f: {  	v53 =	vld [tilespmem:$0x74B0];
	[tilespmem:$0x35A0] =	vst v41  }
0xa0: {  	v41 =	vld.idx.msk [tilespmem:v30+s3+$0x0], $0xffff;
	_ =	sdelay $0x4  }
0xa1: {  	v41 =	vadd.s32 v41, v53  }
0xa2: {  	v54 =	vld [tilespmem:$0x74C0];
	[tilespmem:$0x35B0] =	vst v41  }
0xa3: {  	v41 =	vld.idx.msk [tilespmem:v31+s3+$0x0], $0xffff;
	_ =	sdelay $0x4  }
0xa4: {  	v41 =	vadd.s32 v41, v54  }
0xa5: {  	v55 =	vld [tilespmem:$0x74D0];
	[tilespmem:$0x35C0] =	vst v41  }
0xa6: {  	v41 =	vld.idx.msk [tilespmem:v32+s3+$0x0], $0xffff;
	_ =	sdelay $0x4  }
0xa7: {  	v41 =	vadd.s32 v41, v55  }
0xa8: {  	v56 =	vld [tilespmem:$0x74D8];
	[tilespmem:$0x35D0] =	vst v41  }
0xa9: {  	v41 =	vld.idx.msk [tilespmem:v33+s3+$0x0], $0xffff;
	_ =	sdelay $0x4  }
0xaa: {  	v41 =	vadd.s32 v41, v56  }
0xab: {  	v57 =	vld [tilespmem:$0x7480];
	[tilespmem:$0x35D8] =	vst v41  }
0xac: {  	v41 =	vld.idx.msk [tilespmem:v34+s3+$0x0], $0xffff;
	_ =	sdelay $0x4  }
0xad: {  	v41 =	vadd.s32 v41, v57  }
0xae: {  	v58 =	vld [tilespmem:$0x7490];
	[tilespmem:$0x3600] =	vst v41  }
0xaf: {  	v41 =	vld.idx.msk [tilespmem:v35+s3+$0x0], $0xffff;
	_ =	sdelay $0x4  }
0xb0: {  	v41 =	vadd.s32 v41, v58  }
0xb1: {  	v59 =	vld [tilespmem:$0x74A0];
	[tilespmem:$0x3610] =	vst v41  }
0xb2: {  	v41 =	vld.idx.msk [tilespmem:v36+s3+$0x0], $0xffff;
	_ =	sdelay $0x4  }
0xb3: {  	v41 =	vadd.s32 v41, v59  }
0xb4: {  	v60 =	vld [tilespmem:$0x74B0];
	[tilespmem:$0x3620] =	vst v41  }
0xb5: {  	v41 =	vld.idx.msk [tilespmem:v37+s3+$0x0], $0xffff;
	_ =	sdelay $0x4  }
0xb6: {  	v41 =	vadd.s32 v41, v60  }
0xb7: {  	v61 =	vld [tilespmem:$0x74C0];
	[tilespmem:$0x3630] =	vst v41  }
0xb8: {  	v41 =	vld.idx.msk [tilespmem:v38+s3+$0x0], $0xffff;
	_ =	sdelay $0x4  }
0xb9: {  	v41 =	vadd.s32 v41, v61  }
0xba: {  	v62 =	vld [tilespmem:$0x74D0];
	[tilespmem:$0x3640] =	vst v41  }
0xbb: {  	v41 =	vld.idx.msk [tilespmem:v39+s3+$0x0], $0xffff;
	_ =	sdelay $0x4  }
0xbc: {  	v41 =	vadd.s32 v41, v62  }
0xbd: {  	v63 =	vld [tilespmem:$0x74D8];
	[tilespmem:$0x3650] =	vst v41  }
0xbe: {  	v41 =	vld.idx.msk [tilespmem:v40+s3+$0x0], $0xffff;
	_ =	sdelay $0x1  }
.Ltmp2:
0xbf: {  	_ = 	snop;
	(pc) =	sbr.rel .LBB2_2-.Ltmp2, $3  }
0xc0: {  	_ =	sdelay $0x1  }
0xc1: {  	s23 =	simm.s32 $0x3580;
	v41 =	vadd.s32 v41, v63  }
0xc2: {  	s24 =	simm.s32 $0x260;
	s25 =	smov.u32 s7;
	s26 =	simm.s32 $0x0;
	[tilespmem:$0x3658] =	vst v41  }
.LBB2_4:
0xc3: {  	s2 =	smul.u32 $0xD000, s28;
	_ =	sdelay $0x1  }
0xc4: {  	s2 =	sshrl.u32 s2, $0x2  }
0xc5: {  	s31 =	sadd.s32 $0x1, s28;
	s2 =	sadd.s32 $0x7500, s2  }
0xc6: {  	[tilespmem:s2], [sflag:s31] =	stream.indirect.gather [hbm4b:s1+s12], $0x80, s23, s12, $0xb8;
	[tilespmem:$0x1AD00] =	vst v63  }
.LBB2_6:
0xc7: {  	s2 =	sadd.s32 $0xFFFFFFA8, s24  }
0xc8: {  	v41 =	vadd.s32 s2, v0;
	_ =	sdelay $0x3  }
0xc9: {  	v42 =	vld [tilespmem:$0x7480]  }
0xca: {  	v41 =	vld.idx.msk [tilespmem:v41+s3+$0x0], $0xffff  }
0xcb: {  	s31 =	sadd.s32 $0xFFFFFFB8, s24  }
0xcc: {  	v43 =	vadd.s32 s31, v0;
	_ =	sdelay $0x2  }
0xcd: {  	v41 =	vadd.s32 v41, v42  }
0xce: {  	[tilespmem:s23+$0x100] =	vst v41  }
0xcf: {  	v41 =	vld.idx.msk [tilespmem:v43+s3+$0x0], $0xffff  }
0xd0: {  	v53 =	vld [tilespmem:$0x7490]  }
0xd1: {  	s28 =	sadd.s32 $0xFFFFFFC8, s24  }
0xd2: {  	v54 =	vadd.s32 s28, v0;
	_ =	sdelay $0x2  }
0xd3: {  	v41 =	vadd.s32 v41, v53  }
0xd4: {  	[tilespmem:s23+$0x110] =	vst v41  }
0xd5: {  	v41 =	vld.idx.msk [tilespmem:v54+s3+$0x0], $0xffff  }
0xd6: {  	v55 =	vld [tilespmem:$0x74A0]  }
0xd7: {  	s29 =	sadd.s32 $0xFFFFFFD8, s24  }
0xd8: {  	v56 =	vadd.s32 s29, v0;
	_ =	sdelay $0x2  }
0xd9: {  	v41 =	vadd.s32 v41, v55  }
0xda: {  	[tilespmem:s23+$0x120] =	vst v41  }
0xdb: {  	v41 =	vld.idx.msk [tilespmem:v56+s3+$0x0], $0xffff  }
0xdc: {  	v57 =	vld [tilespmem:$0x74B0]  }
0xdd: {  	s30 =	sadd.s32 $0xFFFFFFE8, s24  }
0xde: {  	v58 =	vadd.s32 s30, v0;
	_ =	sdelay $0x2  }
0xdf: {  	v41 =	vadd.s32 v41, v57  }
0xe0: {  	[tilespmem:s23+$0x130] =	vst v41  }
0xe1: {  	v41 =	vld.idx.msk [tilespmem:v58+s3+$0x0], $0xffff  }
0xe2: {  	v59 =	vld [tilespmem:$0x74C0]  }
0xe3: {  	s31 =	sadd.s32 $0xFFFFFFF8, s24  }
0xe4: {  	v60 =	vadd.s32 s31, v0;
	_ =	sdelay $0x2  }
0xe5: {  	v41 =	vadd.s32 v41, v59  }
0xe6: {  	[tilespmem:s23+$0x140] =	vst v41  }
0xe7: {  	v41 =	vld.idx.msk [tilespmem:v60+s3+$0x0], $0xffff  }
0xe8: {  	v61 =	vld [tilespmem:$0x74D0];
	_ =	sdelay $0x1  }
0xe9: {  	v62 =	vadd.s32 s24, v0;
	_ =	sdelay $0x2  }
0xea: {  	v41 =	vadd.s32 v41, v61  }
0xeb: {  	[tilespmem:s23+$0x150] =	vst v41  }
0xec: {  	v41 =	vld.idx.msk [tilespmem:v62+s3+$0x0], $0xffff  }
0xed: {  	v63 =	vld [tilespmem:$0x74D8];
	_ =	sdelay $0x4  }
0xee: {  	v41 =	vadd.s32 v41, v63  }
0xef: {  	[tilespmem:s23+$0x158] =	vst v41  }
.LBB2_7:
0xf0: {  	s24 =	sadd.s32 $0x68, s24  }
0xf1: {  	p0 =	sne.s32 s24, $0x3660  }
.Ltmp3:
0xf2: {  	_ = 	snop;
	(pc) =	sbr.rel @!p0 .LBB2_8-.Ltmp3, $2  }
0xf3: {  	_ =	sdelay $0x2  }
0xf4: {  	s26 =	sadd.s32 $0x1, s26;
	s23 =	sadd.s32 $0x80, s23;
	s25 =	sadd.s32 $0x800, s25  }
.LBB2_2:
0xf5: {  	s28 =	smul.u32 $0xAB, s26;
	_ =	sdelay $0x1  }
0xf6: {  	s29 =	sshrl.u32 s28, $0xA  }
0xf7: {  	s29 =	sand.u32 $0x3F, s29  }
0xf8: {  	s29 =	smul.u32 $0x6, s29;
	_ =	sdelay $0x1  }
0xf9: {  	s29 =	ssub.s32 s26, s29  }
0xfa: {  	s29 =	sand.u32 $0xFF, s29  }
0xfb: {  	s30 =	sadd.s32 $0x1, s29  }
0xfc: {  	s31 =	smul.u32 $0xD000, s29;
	_ =	swait.ge [sflag:s30], $0x3400  }
0xfd: {  	[sflag:s30] =	ssyncset.done $0x0  }
0xfe: {  	[sflag:s30] =	ssyncadd.s32 $0xFFFFCC00;
	s30 =	sshrl.u32 s31, $0x2  }
0xff: {  	s29 =	sadd.s32 $0x7, s29;
	s31 =	sadd.s32 $0xFFFFFA00, s25;
	s2 =	sadd.s32 $0x7500, s30  }
0x100: {  	[hbm4b:s31+s3] =	stream.linear.scatter [tilespmem:s2], [sflag:s29], $0xD00, $0x38;
	[tilespmem:$0x1AD00] =	vst v63  }
0x101: {  	p0 =	sgt.u32 s26, $0x7C;
	s2 =	sadd.s32 $0xFFFFFC00, s25;
	s31 =	sadd.s32 $0x8200, s30  }
0x102: {  	[hbm4b:s2+s3] =	stream.linear.scatter [tilespmem:s31], [sflag:s29], $0xD00, $0x38;
	[tilespmem:$0x1AD00] =	vst v63  }
.Ltmp4:
0x103: {  	_ = 	snop;
	(pc) =	sbr.rel @p0 .LBB2_7-.Ltmp4, $4  }
0x104: {  	s2 =	sadd.s32 $0xFFFFFE00, s25;
	s31 =	sadd.s32 $0x8F00, s30  }
0x105: {  	[hbm4b:s2+s3] =	stream.linear.scatter [tilespmem:s31], [sflag:s29], $0xD00, $0x38;
	[tilespmem:$0x1AD00] =	vst v63  }
0x106: {  	s31 =	sadd.s32 $0x9C00, s30  }
0x107: {  	[hbm4b:s25+s3] =	stream.linear.scatter [tilespmem:s31], [sflag:s29], $0xD00, $0x38;
	[tilespmem:$0x1AD00] =	vst v63  }
0x108: {  	s2 =	sadd.s32 $0x201, s28  }
0x109: {  	s2 =	sshrl.u32 s2, $0xA  }
0x10a: {  	s2 =	sand.u32 $0x3F, s2  }
0x10b: {  	p0 =	sgt.u32 s26, $0x2;
	s2 =	smul.u32 $0x6, s2  }
.Ltmp5:
0x10c: {  	_ = 	snop;
	(pc) =	sbr.rel @!p0 .LBB2_4-.Ltmp5, $4  }
0x10d: {  	_ = 	snop  }
0x10e: {  	s2 =	ssub.s32 s26, s2  }
0x10f: {  	s2 =	sadd.s32 $0x3, s2  }
0x110: {  	s28 =	sand.u32 $0xFF, s2  }
0x111: {  	s2 =	sadd.s32 $0x7, s28  }
0x112: {  	_ =	swait.ge [sflag:s2], $0xD00  }
0x113: {  	[sflag:s2] =	ssyncset.done $0x0  }
0x114: {  	[sflag:s2] =	ssyncadd.s32 $0xFFFFF300  }
0x115: {  	_ =	swait.ge [sflag:s2], $0xD00  }
0x116: {  	[sflag:s2] =	ssyncset.done $0x0  }
0x117: {  	[sflag:s2] =	ssyncadd.s32 $0xFFFFF300  }
0x118: {  	_ =	swait.ge [sflag:s2], $0xD00  }
0x119: {  	s29 =	smul.u32 $0xD000, s28;
	p0 =	sgt.u32 s26, $0x7A;
	[sflag:s2] =	ssyncset.done $0x0  }
.Ltmp6:
0x11a: {  	[sflag:s2] =	ssyncadd.s32 $0xFFFFF300;
	(pc) =	sbr.rel @p0 .LBB2_7-.Ltmp6, $4  }
.Ltmp7:
0x11b: {  	_ =	swait.ge [sflag:s2], $0xD00;
	(pc) =	sbr.rel @!p0 .LBB2_6-.Ltmp7, $4  }
0x11c: {  	s29 =	sshrl.u32 s29, $0x2;
	[sflag:s2] =	ssyncset.done $0x0  }
0x11d: {  	s31 =	sadd.s32 $0x1, s28;
	s30 =	sadd.s32 $0x7500, s29;
	[sflag:s2] =	ssyncadd.s32 $0xFFFFF300  }
0x11e: {  	[tilespmem:s30], [sflag:s31] =	stream.indirect.gather [hbm4b:s1+s12], $0x80, s23, s12, $0xb8;
	[tilespmem:$0x1AD00] =	vst v63  }
0x11f: {  	_ = 	snop  }
.LBB2_9:
0x120: {  	_ =	sfence.sel $0x180000  }
0x121: {  	[bflag:$0x0] =	sbarrier.arrive $0xFFFF  }
0x122: {  	_ =	strace $0x90000047  }
0x123: {  	[bflag:$0x2] =	sbarrier.arrive $0xFFFF  }
0x124: {  	p0 =	sne.s32 s4, $0x0;
	s0 =	rddreg [dreg:$0x4]  }
0x125: {  	s0 =	sadd.s32 @!p0 $0x100000, s0  }
0x126: {  	[sflag:s0] =	ssyncadd.tile.s32 @!p0 $0x1;
	_ =	shalt  }
.Lfunc_end2:
_tile_overlayer_lowered:
.L_overlay_start_2:
0x127: {  	(tag) =	ssettag $0x2  }
0x128: {  	s0 =	rddreg [dreg:$0x0];
	s2 =	stileid.u32  }
0x129: {  	s1 =	rddreg [dreg:$0x1];
	p0 =	sne.s32 s2, $0x0  }
0x12a: {  	s3 =	rddreg [dreg:$0x2];
	[bflag:$0x3] =	sbarrier.arrive $0xFFFF;
	s2 =	simm.s32 @!p0 $0x1C0D  }
0x12b: {  	[timem:s3], [sflag:s2] =	dma.local @!p0 [hbm:s0], s1  }
0x12c: {  	s0 =	simm.s32 @!p0 $0xD  }
0x12d: {  	_ =	swait.ge @!p0 [sflag:s0], s1  }
0x12e: {  	s1 =	ssub.s32 @!p0 $0x0, s1;
	[sflag:s0] =	ssyncset.done @!p0 $0x0  }
0x12f: {  	[sflag:s0] =	ssyncadd.s32 @!p0 s1  }
0x130: {  	[bflag:$0x3] =	sbarrier.arrive $0xFFFF  }
0x131: {  	_ =	shalt  }

</sc_bundles>
